<compile_context>
chip_gen: v7x
topology: tpu7x:2x2x1
jax: 0.10.2.dev20260603
libtpu: 0.0.44.dev20260713+nightly
codegen_flags: <defaults>
</compile_context>

<pallas_src>
import jax
import jax.numpy as jnp
from jax import lax
from jax.experimental import pallas as pl
from jax.experimental.pallas import tpu as pltpu
from jax.experimental.pallas import tpu_sc as plsc

_N = 100
_NP = 128
_E = 6400
_ER = 50
_EC = 128
_ACC = _NP * _NP
_SLICE = _ACC // 16
_F32 = jnp.float32
_PH = lax.Precision.HIGHEST


def _sc_body(ei_hbm, ew_hbm, out_hbm, src_v, dst_v, w_v, idx_v, z_v,
             acc_sh, sem):
    s = lax.axis_index("s")
    for i in range(_SLICE // 16):
        z_v[pl.ds(i * 16, 16)] = jnp.zeros((16,), _F32)
    pltpu.sync_copy(z_v, acc_sh.at[pl.ds(s * _SLICE, _SLICE)])
    plsc.subcore_barrier()

    def fetch_pair(half, r0):
        o = half * 2 * _EC
        sl = pl.ds(r0 * _EC, 2 * _EC)
        dsl = pl.ds(_E + r0 * _EC, 2 * _EC)
        return [
            pltpu.async_copy(ei_hbm.at[sl], src_v.at[pl.ds(o, 2 * _EC)], sem),
            pltpu.async_copy(ei_hbm.at[dsl], dst_v.at[pl.ds(o, 2 * _EC)], sem),
            pltpu.async_copy(ew_hbm.at[sl], w_v.at[pl.ds(o, 2 * _EC)], sem),
        ]

    def scatter_rows(j0):
        for j in (j0, j0 + 1):
            for k in range(_EC // 16):
                sl = pl.ds(j * _EC + k * 16, 16)
                idx_v[j, pl.ds(k * 16, 16)] = dst_v[sl] * _NP + src_v[sl]
            pltpu.sync_copy(w_v.at[pl.ds(j * _EC, _EC)],
                            acc_sh.at[idx_v.at[j]], add=True)

    second = s < _ER // 2 - 16
    cps0 = fetch_pair(0, 2 * s)

    @pl.when(second)
    def _():
        fetch_pair(1, 32 + 2 * s)

    for cp in cps0:
        cp.wait()
    scatter_rows(0)

    @pl.when(second)
    def _():
        o = 2 * _EC
        sl = pl.ds((32 + 2 * s) * _EC, 2 * _EC)
        dsl = pl.ds(_E + (32 + 2 * s) * _EC, 2 * _EC)
        pltpu.make_async_copy(ei_hbm.at[sl],
                              src_v.at[pl.ds(o, 2 * _EC)], sem).wait()
        pltpu.make_async_copy(ei_hbm.at[dsl],
                              dst_v.at[pl.ds(o, 2 * _EC)], sem).wait()
        pltpu.make_async_copy(ew_hbm.at[sl],
                              w_v.at[pl.ds(o, 2 * _EC)], sem).wait()
        scatter_rows(2)

    plsc.subcore_barrier()
    ocps = [
        pltpu.async_copy(acc_sh.at[pl.ds(s * _SLICE + k * _NP, _NP)],
                         out_hbm.at[s, k, pl.ds(0, _NP)], sem)
        for k in range(8)
    ]
    for cp in ocps:
        cp.wait()


_sc_build = pl.kernel(
    _sc_body,
    mesh=plsc.VectorSubcoreMesh(core_axis_name="c", subcore_axis_name="s",
                                num_cores=1),
    out_type=jax.ShapeDtypeStruct((16, 8, _NP), _F32),
    scratch_types=[
        pltpu.VMEM((4 * _EC,), jnp.int32),
        pltpu.VMEM((4 * _EC,), jnp.int32),
        pltpu.VMEM((4 * _EC,), _F32),
        pltpu.VMEM((4, _EC), jnp.int32),
        pltpu.VMEM((_SLICE,), _F32),
        pltpu.VMEM_SHARED((_ACC,), _F32),
        pltpu.SemaphoreType.DMA,
    ],
)


def _dense_body(a_ref, x_ref, wg1_ref, bg1_ref,
                wg2_ref, bg2_ref, wg3_ref, bg3_ref, gam_ref, bet_ref,
                w1_ref, b1_ref, w2_ref, b2_ref, out_ref):
    at = a_ref[...].reshape(_NP, _NP)
    deg = jnp.sum(at, axis=1, keepdims=True) + 1.0
    dinv = lax.rsqrt(deg)
    xp = jnp.concatenate(
        [x_ref[0], jnp.zeros((_NP - _N, 128), _F32)], axis=0)

    def gcn(h, w, b):
        z = jnp.dot(h, w, preferred_element_type=_F32)
        zh = dinv * z
        agg = jnp.dot(at, zh, precision=_PH, preferred_element_type=_F32) + zh
        return jax.nn.relu(dinv * agg + b)

    h = gcn(xp, wg1_ref[...], bg1_ref[...])
    h = gcn(h, wg2_ref[...], bg2_ref[...])
    h = gcn(h, wg3_ref[...], bg3_ref[...])

    rmask = (lax.broadcasted_iota(jnp.int32, (_NP, 1), 0) < _N).astype(_F32)
    mean = jnp.sum(h * rmask, axis=0, keepdims=True) * (1.0 / _N)
    diff = h - mean
    var = jnp.sum(diff * diff * rmask, axis=0, keepdims=True) * (1.0 / _N)
    hn = diff * lax.rsqrt(var + 1e-5) * gam_ref[...] + bet_ref[...]

    l = jax.nn.relu(jnp.dot(hn, w1_ref[...],
                            preferred_element_type=_F32) + b1_ref[...])
    r_i = lax.broadcasted_iota(jnp.int32, (1000, _N), 0)
    i_i = lax.broadcasted_iota(jnp.int32, (1000, _N), 1)
    t = r_i - 10 * i_i
    nsel = ((t >= 0) & (t < 10)).astype(_F32)
    r_c = lax.broadcasted_iota(jnp.int32, (1000, 10), 0)
    c_c = lax.broadcasted_iota(jnp.int32, (1000, 10), 1)
    qsel = (r_c % 10 == c_c).astype(_F32)
    lrows = jnp.dot(nsel, l[:_N, :], preferred_element_type=_F32)
    sflat = jnp.sum(lrows * qsel, axis=1, keepdims=True)
    w2b = w2_ref[...].astype(jnp.bfloat16).astype(_F32)
    out = jnp.sum(sflat * w2b, axis=0, keepdims=True)
    out_ref[...] = out[0] + b2_ref[...]


def kernel(x, edge_index, edge_attr, Wg1, bg1, Wg2, bg2, Wg3, bg3,
           gamma, beta, W1, b1, W2, b2):
    a = _sc_build(edge_index.astype(jnp.int32).reshape(2 * _E),
                  edge_attr.reshape(_E))
    return pl.pallas_call(
        _dense_body,
        out_shape=jax.ShapeDtypeStruct((128,), _F32),
    )(a, x, Wg1, bg1, Wg2, bg2, Wg3, bg3, gamma, beta, W1, b1, W2, b2)

# --- scband reference (transcript-rebuilt; emitter-appended) ---
"""Pipeline reference for scband-graph-encoder-72773925863651 (READ-ONLY COPY).

The authoritative reference and input builder live on the scoring server;
editing this copy changes nothing except your own understanding.
"""

import jax, jax.numpy as jnp
import numpy as np

N_NODES = 100
N_EDGES = 6400
D_FEAT = 128


def _gcn_conv(x, src, dst, ew, W, b, n):
    # PyG GCNConv with edge weights: add self loops (weight 1), symmetric norm,
    # aggregate messages at dst via scatter-add.
    loop = jnp.arange(n)
    s = jnp.concatenate([src, loop])
    d = jnp.concatenate([dst, loop])
    w = jnp.concatenate([ew, jnp.ones((n,), dtype=ew.dtype)])
    deg = jax.ops.segment_sum(w, d, num_segments=n)
    deg_safe = jnp.where(deg > 0, deg, 1.0)
    dinv = jnp.where(deg > 0, 1.0 / jnp.sqrt(deg_safe), 0.0)
    norm = dinv[s] * w * dinv[d]
    h = x @ W
    out = jax.ops.segment_sum(norm[:, None] * h[s], d, num_segments=n)
    return out + b


def setup_inputs(seed: int = 0) -> dict:
    key = jax.random.key(seed)
    ks = jax.random.split(key, 16)
    x = jax.random.normal(ks[0], (1, N_NODES, D_FEAT), dtype=jnp.float32)
    edge_index = jax.random.randint(ks[1], (1, 2, N_EDGES), 0, N_NODES)
    edge_attr = jax.random.uniform(ks[2], (1, N_EDGES), dtype=jnp.float32)
    def lin(k, fan_in, fan_out):
        return jax.random.normal(k, (fan_in, fan_out), dtype=jnp.float32) * (1.0 / np.sqrt(fan_in))
    Wg1 = lin(ks[3], D_FEAT, 64); bg1 = jnp.zeros((64,), jnp.float32)
    Wg2 = lin(ks[4], 64, 128);    bg2 = jnp.zeros((128,), jnp.float32)
    Wg3 = lin(ks[5], 128, 256);   bg3 = jnp.zeros((256,), jnp.float32)
    gamma = jnp.ones((256,), jnp.float32); beta = jnp.zeros((256,), jnp.float32)
    W1 = lin(ks[6], 256, 10);  b1 = jnp.zeros((10,), jnp.float32)
    W2 = lin(ks[7], 1000, 128); b2 = jnp.zeros((128,), jnp.float32)
    return {"x": x, "edge_index": edge_index, "edge_attr": edge_attr,
            "Wg1": Wg1, "bg1": bg1, "Wg2": Wg2, "bg2": bg2, "Wg3": Wg3, "bg3": bg3,
            "gamma": gamma, "beta": beta, "W1": W1, "b1": b1, "W2": W2, "b2": b2}


def reference(x, edge_index, edge_attr, Wg1, bg1, Wg2, bg2, Wg3, bg3, gamma, beta, W1, b1, W2, b2):
    n = N_NODES
    xv = x[0].reshape(n, -1)
    src = edge_index[0, 0]
    dst = edge_index[0, 1]
    ew = edge_attr[0]
    h = jax.nn.relu(_gcn_conv(xv, src, dst, ew, Wg1, bg1, n))
    h = jax.nn.relu(_gcn_conv(h, src, dst, ew, Wg2, bg2, n))
    h = jax.nn.relu(_gcn_conv(h, src, dst, ew, Wg3, bg3, n))
    # BatchNorm1d (training-mode statistics over the node/batch dim)
    mean = jnp.mean(h, axis=0)
    var = jnp.var(h, axis=0)
    h = (h - mean) / jnp.sqrt(var + 1e-5) * gamma + beta
    # scatter_max(x, arange(n), dim=0) with unique segment ids is the identity
    h = jax.nn.relu((h @ W1 + b1).reshape(-1))
    return h @ W2 + b2

if __name__ == "__main__":
    import jax
    _d = setup_inputs()
    print(jax.jit(kernel)(*tuple(_d.values())))

</pallas_src>

<mosaic_0001>
#map = affine_map<(d0, d1) -> (0)>
#map1 = affine_map<(d0, d1) -> (0, 0, 0)>
module attributes {stable_mosaic.version = 14 : i64} {
  func.func @_sc_body(%arg0: i32, %arg1: i32, %arg2: memref<12800xi32, #tpu.memory_space<hbm>>, %arg3: memref<6400xf32, #tpu.memory_space<hbm>>, %arg4: memref<16x8x128xf32, #tpu.memory_space<hbm>>, %arg5: memref<512xi32, #tpu.memory_space<vmem>>, %arg6: memref<512xi32, #tpu.memory_space<vmem>>, %arg7: memref<512xf32, #tpu.memory_space<vmem>>, %arg8: memref<4x128xi32, #tpu.memory_space<vmem>>, %arg9: memref<1024xf32, #tpu.memory_space<vmem>>, %arg10: memref<16384xf32, #tpu.memory_space<vmem_shared>>, %arg11: memref<!tpu.dma_semaphore, #tpu.memory_space<semaphore_mem>>) attributes {dimension_semantics = [#tpu.dimension_semantics<core_parallel>, #tpu.dimension_semantics<subcore_parallel>], iteration_bounds = array<i64: 1, 16>, scalar_prefetch = 0 : i64, scratch_operands = 7 : i64, tpu.core_type = #tpu.core_type<sc_vector_subcore>, window_params = [{transform_indices = #map}, {transform_indices = #map}, {transform_indices = #map1}]} {
    %broadcast_in_dim3A = arith.constant 0.000000e+00 : f32
    %broadcast_in_dim3A_0 = vector.broadcast %broadcast_in_dim3A : f32 to vector<16xf32>
    %swap3A = arith.constant 0 : index
    %swap3A_1 = tpu.vector_load %arg9[%swap3A] {strides = array<i32>} : memref<1024xf32, #tpu.memory_space<vmem>>, vector<16xf32>,
    %swap3A_2 = vector.shape_cast %swap3A_1 : vector<16xf32> to vector<16xf32>
    %swap3A_3 = vector.shape_cast %broadcast_in_dim3A_0 : vector<16xf32> to vector<16xf32>
    tpu.vector_store %arg9[%swap3A], %swap3A_3 {strides = array<i32>} : memref<1024xf32, #tpu.memory_space<vmem>>, vector<16xf32>,
    %broadcast_in_dim3A_4 = arith.constant 0.000000e+00 : f32
    %broadcast_in_dim3A_5 = vector.broadcast %broadcast_in_dim3A_4 : f32 to vector<16xf32>
    %swap3A_6 = arith.constant 16 : index
    %swap3A_7 = tpu.vector_load %arg9[%swap3A_6] {strides = array<i32>} : memref<1024xf32, #tpu.memory_space<vmem>>, vector<16xf32>,
    %swap3A_8 = vector.shape_cast %swap3A_7 : vector<16xf32> to vector<16xf32>
    %swap3A_9 = vector.shape_cast %broadcast_in_dim3A_5 : vector<16xf32> to vector<16xf32>
    tpu.vector_store %arg9[%swap3A_6], %swap3A_9 {strides = array<i32>} : memref<1024xf32, #tpu.memory_space<vmem>>, vector<16xf32>,
    %broadcast_in_dim3A_10 = arith.constant 0.000000e+00 : f32
    %broadcast_in_dim3A_11 = vector.broadcast %broadcast_in_dim3A_10 : f32 to vector<16xf32>
    %swap3A_12 = arith.constant 32 : index
    %swap3A_13 = tpu.vector_load %arg9[%swap3A_12] {strides = array<i32>} : memref<1024xf32, #tpu.memory_space<vmem>>, vector<16xf32>,
    %swap3A_14 = vector.shape_cast %swap3A_13 : vector<16xf32> to vector<16xf32>
    %swap3A_15 = vector.shape_cast %broadcast_in_dim3A_11 : vector<16xf32> to vector<16xf32>
    tpu.vector_store %arg9[%swap3A_12], %swap3A_15 {strides = array<i32>} : memref<1024xf32, #tpu.memory_space<vmem>>, vector<16xf32>,
    %broadcast_in_dim3A_16 = arith.constant 0.000000e+00 : f32
    %broadcast_in_dim3A_17 = vector.broadcast %broadcast_in_dim3A_16 : f32 to vector<16xf32>
    %swap3A_18 = arith.constant 48 : index
    %swap3A_19 = tpu.vector_load %arg9[%swap3A_18] {strides = array<i32>} : memref<1024xf32, #tpu.memory_space<vmem>>, vector<16xf32>,
    %swap3A_20 = vector.shape_cast %swap3A_19 : vector<16xf32> to vector<16xf32>
    %swap3A_21 = vector.shape_cast %broadcast_in_dim3A_17 : vector<16xf32> to vector<16xf32>
    tpu.vector_store %arg9[%swap3A_18], %swap3A_21 {strides = array<i32>} : memref<1024xf32, #tpu.memory_space<vmem>>, vector<16xf32>,
    %broadcast_in_dim3A_22 = arith.constant 0.000000e+00 : f32
    %broadcast_in_dim3A_23 = vector.broadcast %broadcast_in_dim3A_22 : f32 to vector<16xf32>
    %swap3A_24 = arith.constant 64 : index
    %swap3A_25 = tpu.vector_load %arg9[%swap3A_24] {strides = array<i32>} : memref<1024xf32, #tpu.memory_space<vmem>>, vector<16xf32>,
    %swap3A_26 = vector.shape_cast %swap3A_25 : vector<16xf32> to vector<16xf32>
    %swap3A_27 = vector.shape_cast %broadcast_in_dim3A_23 : vector<16xf32> to vector<16xf32>
    tpu.vector_store %arg9[%swap3A_24], %swap3A_27 {strides = array<i32>} : memref<1024xf32, #tpu.memory_space<vmem>>, vector<16xf32>,
    %broadcast_in_dim3A_28 = arith.constant 0.000000e+00 : f32
    %broadcast_in_dim3A_29 = vector.broadcast %broadcast_in_dim3A_28 : f32 to vector<16xf32>
    %swap3A_30 = arith.constant 80 : index
    %swap3A_31 = tpu.vector_load %arg9[%swap3A_30] {strides = array<i32>} : memref<1024xf32, #tpu.memory_space<vmem>>, vector<16xf32>,
    %swap3A_32 = vector.shape_cast %swap3A_31 : vector<16xf32> to vector<16xf32>
    %swap3A_33 = vector.shape_cast %broadcast_in_dim3A_29 : vector<16xf32> to vector<16xf32>
    tpu.vector_store %arg9[%swap3A_30], %swap3A_33 {strides = array<i32>} : memref<1024xf32, #tpu.memory_space<vmem>>, vector<16xf32>,
    %broadcast_in_dim3A_34 = arith.constant 0.000000e+00 : f32
    %broadcast_in_dim3A_35 = vector.broadcast %broadcast_in_dim3A_34 : f32 to vector<16xf32>
    %swap3A_36 = arith.constant 96 : index
    %swap3A_37 = tpu.vector_load %arg9[%swap3A_36] {strides = array<i32>} : memref<1024xf32, #tpu.memory_space<vmem>>, vector<16xf32>,
    %swap3A_38 = vector.shape_cast %swap3A_37 : vector<16xf32> to vector<16xf32>
    %swap3A_39 = vector.shape_cast %broadcast_in_dim3A_35 : vector<16xf32> to vector<16xf32>
    tpu.vector_store %arg9[%swap3A_36], %swap3A_39 {strides = array<i32>} : memref<1024xf32, #tpu.memory_space<vmem>>, vector<16xf32>,
    %broadcast_in_dim3A_40 = arith.constant 0.000000e+00 : f32
    %broadcast_in_dim3A_41 = vector.broadcast %broadcast_in_dim3A_40 : f32 to vector<16xf32>
    %swap3A_42 = arith.constant 112 : index
    %swap3A_43 = tpu.vector_load %arg9[%swap3A_42] {strides = array<i32>} : memref<1024xf32, #tpu.memory_space<vmem>>, vector<16xf32>,
    %swap3A_44 = vector.shape_cast %swap3A_43 : vector<16xf32> to vector<16xf32>
    %swap3A_45 = vector.shape_cast %broadcast_in_dim3A_41 : vector<16xf32> to vector<16xf32>
    tpu.vector_store %arg9[%swap3A_42], %swap3A_45 {strides = array<i32>} : memref<1024xf32, #tpu.memory_space<vmem>>, vector<16xf32>,
    %broadcast_in_dim3A_46 = arith.constant 0.000000e+00 : f32
    %broadcast_in_dim3A_47 = vector.broadcast %broadcast_in_dim3A_46 : f32 to vector<16xf32>
    %swap3A_48 = arith.constant 128 : index
    %swap3A_49 = tpu.vector_load %arg9[%swap3A_48] {strides = array<i32>} : memref<1024xf32, #tpu.memory_space<vmem>>, vector<16xf32>,
    %swap3A_50 = vector.shape_cast %swap3A_49 : vector<16xf32> to vector<16xf32>
    %swap3A_51 = vector.shape_cast %broadcast_in_dim3A_47 : vector<16xf32> to vector<16xf32>
    tpu.vector_store %arg9[%swap3A_48], %swap3A_51 {strides = array<i32>} : memref<1024xf32, #tpu.memory_space<vmem>>, vector<16xf32>,
    %broadcast_in_dim3A_52 = arith.constant 0.000000e+00 : f32
    %broadcast_in_dim3A_53 = vector.broadcast %broadcast_in_dim3A_52 : f32 to vector<16xf32>
    %swap3A_54 = arith.constant 144 : index
    %swap3A_55 = tpu.vector_load %arg9[%swap3A_54] {strides = array<i32>} : memref<1024xf32, #tpu.memory_space<vmem>>, vector<16xf32>,
    %swap3A_56 = vector.shape_cast %swap3A_55 : vector<16xf32> to vector<16xf32>
    %swap3A_57 = vector.shape_cast %broadcast_in_dim3A_53 : vector<16xf32> to vector<16xf32>
    tpu.vector_store %arg9[%swap3A_54], %swap3A_57 {strides = array<i32>} : memref<1024xf32, #tpu.memory_space<vmem>>, vector<16xf32>,
    %broadcast_in_dim3A_58 = arith.constant 0.000000e+00 : f32
    %broadcast_in_dim3A_59 = vector.broadcast %broadcast_in_dim3A_58 : f32 to vector<16xf32>
    %swap3A_60 = arith.constant 160 : index
    %swap3A_61 = tpu.vector_load %arg9[%swap3A_60] {strides = array<i32>} : memref<1024xf32, #tpu.memory_space<vmem>>, vector<16xf32>,
    %swap3A_62 = vector.shape_cast %swap3A_61 : vector<16xf32> to vector<16xf32>
    %swap3A_63 = vector.shape_cast %broadcast_in_dim3A_59 : vector<16xf32> to vector<16xf32>
    tpu.vector_store %arg9[%swap3A_60], %swap3A_63 {strides = array<i32>} : memref<1024xf32, #tpu.memory_space<vmem>>, vector<16xf32>,
    %broadcast_in_dim3A_64 = arith.constant 0.000000e+00 : f32
    %broadcast_in_dim3A_65 = vector.broadcast %broadcast_in_dim3A_64 : f32 to vector<16xf32>
    %swap3A_66 = arith.constant 176 : index
    %swap3A_67 = tpu.vector_load %arg9[%swap3A_66] {strides = array<i32>} : memref<1024xf32, #tpu.memory_space<vmem>>, vector<16xf32>,
    %swap3A_68 = vector.shape_cast %swap3A_67 : vector<16xf32> to vector<16xf32>
    %swap3A_69 = vector.shape_cast %broadcast_in_dim3A_65 : vector<16xf32> to vector<16xf32>
    tpu.vector_store %arg9[%swap3A_66], %swap3A_69 {strides = array<i32>} : memref<1024xf32, #tpu.memory_space<vmem>>, vector<16xf32>,
    %broadcast_in_dim3A_70 = arith.constant 0.000000e+00 : f32
    %broadcast_in_dim3A_71 = vector.broadcast %broadcast_in_dim3A_70 : f32 to vector<16xf32>
    %swap3A_72 = arith.constant 192 : index
    %swap3A_73 = tpu.vector_load %arg9[%swap3A_72] {strides = array<i32>} : memref<1024xf32, #tpu.memory_space<vmem>>, vector<16xf32>,
    %swap3A_74 = vector.shape_cast %swap3A_73 : vector<16xf32> to vector<16xf32>
    %swap3A_75 = vector.shape_cast %broadcast_in_dim3A_71 : vector<16xf32> to vector<16xf32>
    tpu.vector_store %arg9[%swap3A_72], %swap3A_75 {strides = array<i32>} : memref<1024xf32, #tpu.memory_space<vmem>>, vector<16xf32>,
    %broadcast_in_dim3A_76 = arith.constant 0.000000e+00 : f32
    %broadcast_in_dim3A_77 = vector.broadcast %broadcast_in_dim3A_76 : f32 to vector<16xf32>
    %swap3A_78 = arith.constant 208 : index
    %swap3A_79 = tpu.vector_load %arg9[%swap3A_78] {strides = array<i32>} : memref<1024xf32, #tpu.memory_space<vmem>>, vector<16xf32>,
    %swap3A_80 = vector.shape_cast %swap3A_79 : vector<16xf32> to vector<16xf32>
    %swap3A_81 = vector.shape_cast %broadcast_in_dim3A_77 : vector<16xf32> to vector<16xf32>
    tpu.vector_store %arg9[%swap3A_78], %swap3A_81 {strides = array<i32>} : memref<1024xf32, #tpu.memory_space<vmem>>, vector<16xf32>,
    %broadcast_in_dim3A_82 = arith.constant 0.000000e+00 : f32
    %broadcast_in_dim3A_83 = vector.broadcast %broadcast_in_dim3A_82 : f32 to vector<16xf32>
    %swap3A_84 = arith.constant 224 : index
    %swap3A_85 = tpu.vector_load %arg9[%swap3A_84] {strides = array<i32>} : memref<1024xf32, #tpu.memory_space<vmem>>, vector<16xf32>,
    %swap3A_86 = vector.shape_cast %swap3A_85 : vector<16xf32> to vector<16xf32>
    %swap3A_87 = vector.shape_cast %broadcast_in_dim3A_83 : vector<16xf32> to vector<16xf32>
    tpu.vector_store %arg9[%swap3A_84], %swap3A_87 {strides = array<i32>} : memref<1024xf32, #tpu.memory_space<vmem>>, vector<16xf32>,
    %broadcast_in_dim3A_88 = arith.constant 0.000000e+00 : f32
    %broadcast_in_dim3A_89 = vector.broadcast %broadcast_in_dim3A_88 : f32 to vector<16xf32>
    %swap3A_90 = arith.constant 240 : index
    %swap3A_91 = tpu.vector_load %arg9[%swap3A_90] {strides = array<i32>} : memref<1024xf32, #tpu.memory_space<vmem>>, vector<16xf32>,
    %swap3A_92 = vector.shape_cast %swap3A_91 : vector<16xf32> to vector<16xf32>
    %swap3A_93 = vector.shape_cast %broadcast_in_dim3A_89 : vector<16xf32> to vector<16xf32>
    tpu.vector_store %arg9[%swap3A_90], %swap3A_93 {strides = array<i32>} : memref<1024xf32, #tpu.memory_space<vmem>>, vector<16xf32>,
    %broadcast_in_dim3A_94 = arith.constant 0.000000e+00 : f32
    %broadcast_in_dim3A_95 = vector.broadcast %broadcast_in_dim3A_94 : f32 to vector<16xf32>
    %swap3A_96 = arith.constant 256 : index
    %swap3A_97 = tpu.vector_load %arg9[%swap3A_96] {strides = array<i32>} : memref<1024xf32, #tpu.memory_space<vmem>>, vector<16xf32>,
    %swap3A_98 = vector.shape_cast %swap3A_97 : vector<16xf32> to vector<16xf32>
    %swap3A_99 = vector.shape_cast %broadcast_in_dim3A_95 : vector<16xf32> to vector<16xf32>
    tpu.vector_store %arg9[%swap3A_96], %swap3A_99 {strides = array<i32>} : memref<1024xf32, #tpu.memory_space<vmem>>, vector<16xf32>,
    %broadcast_in_dim3A_100 = arith.constant 0.000000e+00 : f32
    %broadcast_in_dim3A_101 = vector.broadcast %broadcast_in_dim3A_100 : f32 to vector<16xf32>
    %swap3A_102 = arith.constant 272 : index
    %swap3A_103 = tpu.vector_load %arg9[%swap3A_102] {strides = array<i32>} : memref<1024xf32, #tpu.memory_space<vmem>>, vector<16xf32>,
    %swap3A_104 = vector.shape_cast %swap3A_103 : vector<16xf32> to vector<16xf32>
    %swap3A_105 = vector.shape_cast %broadcast_in_dim3A_101 : vector<16xf32> to vector<16xf32>
    tpu.vector_store %arg9[%swap3A_102], %swap3A_105 {strides = array<i32>} : memref<1024xf32, #tpu.memory_space<vmem>>, vector<16xf32>,
    %broadcast_in_dim3A_106 = arith.constant 0.000000e+00 : f32
    %broadcast_in_dim3A_107 = vector.broadcast %broadcast_in_dim3A_106 : f32 to vector<16xf32>
    %swap3A_108 = arith.constant 288 : index
    %swap3A_109 = tpu.vector_load %arg9[%swap3A_108] {strides = array<i32>} : memref<1024xf32, #tpu.memory_space<vmem>>, vector<16xf32>,
    %swap3A_110 = vector.shape_cast %swap3A_109 : vector<16xf32> to vector<16xf32>
    %swap3A_111 = vector.shape_cast %broadcast_in_dim3A_107 : vector<16xf32> to vector<16xf32>
    tpu.vector_store %arg9[%swap3A_108], %swap3A_111 {strides = array<i32>} : memref<1024xf32, #tpu.memory_space<vmem>>, vector<16xf32>,
    %broadcast_in_dim3A_112 = arith.constant 0.000000e+00 : f32
    %broadcast_in_dim3A_113 = vector.broadcast %broadcast_in_dim3A_112 : f32 to vector<16xf32>
    %swap3A_114 = arith.constant 304 : index
    %swap3A_115 = tpu.vector_load %arg9[%swap3A_114] {strides = array<i32>} : memref<1024xf32, #tpu.memory_space<vmem>>, vector<16xf32>,
    %swap3A_116 = vector.shape_cast %swap3A_115 : vector<16xf32> to vector<16xf32>
    %swap3A_117 = vector.shape_cast %broadcast_in_dim3A_113 : vector<16xf32> to vector<16xf32>
    tpu.vector_store %arg9[%swap3A_114], %swap3A_117 {strides = array<i32>} : memref<1024xf32, #tpu.memory_space<vmem>>, vector<16xf32>,
    %broadcast_in_dim3A_118 = arith.constant 0.000000e+00 : f32
    %broadcast_in_dim3A_119 = vector.broadcast %broadcast_in_dim3A_118 : f32 to vector<16xf32>
    %swap3A_120 = arith.constant 320 : index
    %swap3A_121 = tpu.vector_load %arg9[%swap3A_120] {strides = array<i32>} : memref<1024xf32, #tpu.memory_space<vmem>>, vector<16xf32>,
    %swap3A_122 = vector.shape_cast %swap3A_121 : vector<16xf32> to vector<16xf32>
    %swap3A_123 = vector.shape_cast %broadcast_in_dim3A_119 : vector<16xf32> to vector<16xf32>
    tpu.vector_store %arg9[%swap3A_120], %swap3A_123 {strides = array<i32>} : memref<1024xf32, #tpu.memory_space<vmem>>, vector<16xf32>,
    %broadcast_in_dim3A_124 = arith.constant 0.000000e+00 : f32
    %broadcast_in_dim3A_125 = vector.broadcast %broadcast_in_dim3A_124 : f32 to vector<16xf32>
    %swap3A_126 = arith.constant 336 : index
    %swap3A_127 = tpu.vector_load %arg9[%swap3A_126] {strides = array<i32>} : memref<1024xf32, #tpu.memory_space<vmem>>, vector<16xf32>,
    %swap3A_128 = vector.shape_cast %swap3A_127 : vector<16xf32> to vector<16xf32>
    %swap3A_129 = vector.shape_cast %broadcast_in_dim3A_125 : vector<16xf32> to vector<16xf32>
    tpu.vector_store %arg9[%swap3A_126], %swap3A_129 {strides = array<i32>} : memref<1024xf32, #tpu.memory_space<vmem>>, vector<16xf32>,
    %broadcast_in_dim3A_130 = arith.constant 0.000000e+00 : f32
    %broadcast_in_dim3A_131 = vector.broadcast %broadcast_in_dim3A_130 : f32 to vector<16xf32>
    %swap3A_132 = arith.constant 352 : index
    %swap3A_133 = tpu.vector_load %arg9[%swap3A_132] {strides = array<i32>} : memref<1024xf32, #tpu.memory_space<vmem>>, vector<16xf32>,
    %swap3A_134 = vector.shape_cast %swap3A_133 : vector<16xf32> to vector<16xf32>
    %swap3A_135 = vector.shape_cast %broadcast_in_dim3A_131 : vector<16xf32> to vector<16xf32>
    tpu.vector_store %arg9[%swap3A_132], %swap3A_135 {strides = array<i32>} : memref<1024xf32, #tpu.memory_space<vmem>>, vector<16xf32>,
    %broadcast_in_dim3A_136 = arith.constant 0.000000e+00 : f32
    %broadcast_in_dim3A_137 = vector.broadcast %broadcast_in_dim3A_136 : f32 to vector<16xf32>
    %swap3A_138 = arith.constant 368 : index
    %swap3A_139 = tpu.vector_load %arg9[%swap3A_138] {strides = array<i32>} : memref<1024xf32, #tpu.memory_space<vmem>>, vector<16xf32>,
    %swap3A_140 = vector.shape_cast %swap3A_139 : vector<16xf32> to vector<16xf32>
    %swap3A_141 = vector.shape_cast %broadcast_in_dim3A_137 : vector<16xf32> to vector<16xf32>
    tpu.vector_store %arg9[%swap3A_138], %swap3A_141 {strides = array<i32>} : memref<1024xf32, #tpu.memory_space<vmem>>, vector<16xf32>,
    %broadcast_in_dim3A_142 = arith.constant 0.000000e+00 : f32
    %broadcast_in_dim3A_143 = vector.broadcast %broadcast_in_dim3A_142 : f32 to vector<16xf32>
    %swap3A_144 = arith.constant 384 : index
    %swap3A_145 = tpu.vector_load %arg9[%swap3A_144] {strides = array<i32>} : memref<1024xf32, #tpu.memory_space<vmem>>, vector<16xf32>,
    %swap3A_146 = vector.shape_cast %swap3A_145 : vector<16xf32> to vector<16xf32>
    %swap3A_147 = vector.shape_cast %broadcast_in_dim3A_143 : vector<16xf32> to vector<16xf32>
    tpu.vector_store %arg9[%swap3A_144], %swap3A_147 {strides = array<i32>} : memref<1024xf32, #tpu.memory_space<vmem>>, vector<16xf32>,
    %broadcast_in_dim3A_148 = arith.constant 0.000000e+00 : f32
    %broadcast_in_dim3A_149 = vector.broadcast %broadcast_in_dim3A_148 : f32 to vector<16xf32>
    %swap3A_150 = arith.constant 400 : index
    %swap3A_151 = tpu.vector_load %arg9[%swap3A_150] {strides = array<i32>} : memref<1024xf32, #tpu.memory_space<vmem>>, vector<16xf32>,
    %swap3A_152 = vector.shape_cast %swap3A_151 : vector<16xf32> to vector<16xf32>
    %swap3A_153 = vector.shape_cast %broadcast_in_dim3A_149 : vector<16xf32> to vector<16xf32>
    tpu.vector_store %arg9[%swap3A_150], %swap3A_153 {strides = array<i32>} : memref<1024xf32, #tpu.memory_space<vmem>>, vector<16xf32>,
    %broadcast_in_dim3A_154 = arith.constant 0.000000e+00 : f32
    %broadcast_in_dim3A_155 = vector.broadcast %broadcast_in_dim3A_154 : f32 to vector<16xf32>
    %swap3A_156 = arith.constant 416 : index
    %swap3A_157 = tpu.vector_load %arg9[%swap3A_156] {strides = array<i32>} : memref<1024xf32, #tpu.memory_space<vmem>>, vector<16xf32>,
    %swap3A_158 = vector.shape_cast %swap3A_157 : vector<16xf32> to vector<16xf32>
    %swap3A_159 = vector.shape_cast %broadcast_in_dim3A_155 : vector<16xf32> to vector<16xf32>
    tpu.vector_store %arg9[%swap3A_156], %swap3A_159 {strides = array<i32>} : memref<1024xf32, #tpu.memory_space<vmem>>, vector<16xf32>,
    %broadcast_in_dim3A_160 = arith.constant 0.000000e+00 : f32
    %broadcast_in_dim3A_161 = vector.broadcast %broadcast_in_dim3A_160 : f32 to vector<16xf32>
    %swap3A_162 = arith.constant 432 : index
    %swap3A_163 = tpu.vector_load %arg9[%swap3A_162] {strides = array<i32>} : memref<1024xf32, #tpu.memory_space<vmem>>, vector<16xf32>,
    %swap3A_164 = vector.shape_cast %swap3A_163 : vector<16xf32> to vector<16xf32>
    %swap3A_165 = vector.shape_cast %broadcast_in_dim3A_161 : vector<16xf32> to vector<16xf32>
    tpu.vector_store %arg9[%swap3A_162], %swap3A_165 {strides = array<i32>} : memref<1024xf32, #tpu.memory_space<vmem>>, vector<16xf32>,
    %broadcast_in_dim3A_166 = arith.constant 0.000000e+00 : f32
    %broadcast_in_dim3A_167 = vector.broadcast %broadcast_in_dim3A_166 : f32 to vector<16xf32>
    %swap3A_168 = arith.constant 448 : index
    %swap3A_169 = tpu.vector_load %arg9[%swap3A_168] {strides = array<i32>} : memref<1024xf32, #tpu.memory_space<vmem>>, vector<16xf32>,
    %swap3A_170 = vector.shape_cast %swap3A_169 : vector<16xf32> to vector<16xf32>
    %swap3A_171 = vector.shape_cast %broadcast_in_dim3A_167 : vector<16xf32> to vector<16xf32>
    tpu.vector_store %arg9[%swap3A_168], %swap3A_171 {strides = array<i32>} : memref<1024xf32, #tpu.memory_space<vmem>>, vector<16xf32>,
    %broadcast_in_dim3A_172 = arith.constant 0.000000e+00 : f32
    %broadcast_in_dim3A_173 = vector.broadcast %broadcast_in_dim3A_172 : f32 to vector<16xf32>
    %swap3A_174 = arith.constant 464 : index
    %swap3A_175 = tpu.vector_load %arg9[%swap3A_174] {strides = array<i32>} : memref<1024xf32, #tpu.memory_space<vmem>>, vector<16xf32>,
    %swap3A_176 = vector.shape_cast %swap3A_175 : vector<16xf32> to vector<16xf32>
    %swap3A_177 = vector.shape_cast %broadcast_in_dim3A_173 : vector<16xf32> to vector<16xf32>
    tpu.vector_store %arg9[%swap3A_174], %swap3A_177 {strides = array<i32>} : memref<1024xf32, #tpu.memory_space<vmem>>, vector<16xf32>,
    %broadcast_in_dim3A_178 = arith.constant 0.000000e+00 : f32
    %broadcast_in_dim3A_179 = vector.broadcast %broadcast_in_dim3A_178 : f32 to vector<16xf32>
    %swap3A_180 = arith.constant 480 : index
    %swap3A_181 = tpu.vector_load %arg9[%swap3A_180] {strides = array<i32>} : memref<1024xf32, #tpu.memory_space<vmem>>, vector<16xf32>,
    %swap3A_182 = vector.shape_cast %swap3A_181 : vector<16xf32> to vector<16xf32>
    %swap3A_183 = vector.shape_cast %broadcast_in_dim3A_179 : vector<16xf32> to vector<16xf32>
    tpu.vector_store %arg9[%swap3A_180], %swap3A_183 {strides = array<i32>} : memref<1024xf32, #tpu.memory_space<vmem>>, vector<16xf32>,
    %broadcast_in_dim3A_184 = arith.constant 0.000000e+00 : f32
    %broadcast_in_dim3A_185 = vector.broadcast %broadcast_in_dim3A_184 : f32 to vector<16xf32>
    %swap3A_186 = arith.constant 496 : index
    %swap3A_187 = tpu.vector_load %arg9[%swap3A_186] {strides = array<i32>} : memref<1024xf32, #tpu.memory_space<vmem>>, vector<16xf32>,
    %swap3A_188 = vector.shape_cast %swap3A_187 : vector<16xf32> to vector<16xf32>
    %swap3A_189 = vector.shape_cast %broadcast_in_dim3A_185 : vector<16xf32> to vector<16xf32>
    tpu.vector_store %arg9[%swap3A_186], %swap3A_189 {strides = array<i32>} : memref<1024xf32, #tpu.memory_space<vmem>>, vector<16xf32>,
    %broadcast_in_dim3A_190 = arith.constant 0.000000e+00 : f32
    %broadcast_in_dim3A_191 = vector.broadcast %broadcast_in_dim3A_190 : f32 to vector<16xf32>
    %swap3A_192 = arith.constant 512 : index
    %swap3A_193 = tpu.vector_load %arg9[%swap3A_192] {strides = array<i32>} : memref<1024xf32, #tpu.memory_space<vmem>>, vector<16xf32>,
    %swap3A_194 = vector.shape_cast %swap3A_193 : vector<16xf32> to vector<16xf32>
    %swap3A_195 = vector.shape_cast %broadcast_in_dim3A_191 : vector<16xf32> to vector<16xf32>
    tpu.vector_store %arg9[%swap3A_192], %swap3A_195 {strides = array<i32>} : memref<1024xf32, #tpu.memory_space<vmem>>, vector<16xf32>,
    %broadcast_in_dim3A_196 = arith.constant 0.000000e+00 : f32
    %broadcast_in_dim3A_197 = vector.broadcast %broadcast_in_dim3A_196 : f32 to vector<16xf32>
    %swap3A_198 = arith.constant 528 : index
    %swap3A_199 = tpu.vector_load %arg9[%swap3A_198] {strides = array<i32>} : memref<1024xf32, #tpu.memory_space<vmem>>, vector<16xf32>,
    %swap3A_200 = vector.shape_cast %swap3A_199 : vector<16xf32> to vector<16xf32>
    %swap3A_201 = vector.shape_cast %broadcast_in_dim3A_197 : vector<16xf32> to vector<16xf32>
    tpu.vector_store %arg9[%swap3A_198], %swap3A_201 {strides = array<i32>} : memref<1024xf32, #tpu.memory_space<vmem>>, vector<16xf32>,
    %broadcast_in_dim3A_202 = arith.constant 0.000000e+00 : f32
    %broadcast_in_dim3A_203 = vector.broadcast %broadcast_in_dim3A_202 : f32 to vector<16xf32>
    %swap3A_204 = arith.constant 544 : index
    %swap3A_205 = tpu.vector_load %arg9[%swap3A_204] {strides = array<i32>} : memref<1024xf32, #tpu.memory_space<vmem>>, vector<16xf32>,
    %swap3A_206 = vector.shape_cast %swap3A_205 : vector<16xf32> to vector<16xf32>
    %swap3A_207 = vector.shape_cast %broadcast_in_dim3A_203 : vector<16xf32> to vector<16xf32>
    tpu.vector_store %arg9[%swap3A_204], %swap3A_207 {strides = array<i32>} : memref<1024xf32, #tpu.memory_space<vmem>>, vector<16xf32>,
    %broadcast_in_dim3A_208 = arith.constant 0.000000e+00 : f32
    %broadcast_in_dim3A_209 = vector.broadcast %broadcast_in_dim3A_208 : f32 to vector<16xf32>
    %swap3A_210 = arith.constant 560 : index
    %swap3A_211 = tpu.vector_load %arg9[%swap3A_210] {strides = array<i32>} : memref<1024xf32, #tpu.memory_space<vmem>>, vector<16xf32>,
    %swap3A_212 = vector.shape_cast %swap3A_211 : vector<16xf32> to vector<16xf32>
    %swap3A_213 = vector.shape_cast %broadcast_in_dim3A_209 : vector<16xf32> to vector<16xf32>
    tpu.vector_store %arg9[%swap3A_210], %swap3A_213 {strides = array<i32>} : memref<1024xf32, #tpu.memory_space<vmem>>, vector<16xf32>,
    %broadcast_in_dim3A_214 = arith.constant 0.000000e+00 : f32
    %broadcast_in_dim3A_215 = vector.broadcast %broadcast_in_dim3A_214 : f32 to vector<16xf32>
    %swap3A_216 = arith.constant 576 : index
    %swap3A_217 = tpu.vector_load %arg9[%swap3A_216] {strides = array<i32>} : memref<1024xf32, #tpu.memory_space<vmem>>, vector<16xf32>,
    %swap3A_218 = vector.shape_cast %swap3A_217 : vector<16xf32> to vector<16xf32>
    %swap3A_219 = vector.shape_cast %broadcast_in_dim3A_215 : vector<16xf32> to vector<16xf32>
    tpu.vector_store %arg9[%swap3A_216], %swap3A_219 {strides = array<i32>} : memref<1024xf32, #tpu.memory_space<vmem>>, vector<16xf32>,
    %broadcast_in_dim3A_220 = arith.constant 0.000000e+00 : f32
    %broadcast_in_dim3A_221 = vector.broadcast %broadcast_in_dim3A_220 : f32 to vector<16xf32>
    %swap3A_222 = arith.constant 592 : index
    %swap3A_223 = tpu.vector_load %arg9[%swap3A_222] {strides = array<i32>} : memref<1024xf32, #tpu.memory_space<vmem>>, vector<16xf32>,
    %swap3A_224 = vector.shape_cast %swap3A_223 : vector<16xf32> to vector<16xf32>
    %swap3A_225 = vector.shape_cast %broadcast_in_dim3A_221 : vector<16xf32> to vector<16xf32>
    tpu.vector_store %arg9[%swap3A_222], %swap3A_225 {strides = array<i32>} : memref<1024xf32, #tpu.memory_space<vmem>>, vector<16xf32>,
    %broadcast_in_dim3A_226 = arith.constant 0.000000e+00 : f32
    %broadcast_in_dim3A_227 = vector.broadcast %broadcast_in_dim3A_226 : f32 to vector<16xf32>
    %swap3A_228 = arith.constant 608 : index
    %swap3A_229 = tpu.vector_load %arg9[%swap3A_228] {strides = array<i32>} : memref<1024xf32, #tpu.memory_space<vmem>>, vector<16xf32>,
    %swap3A_230 = vector.shape_cast %swap3A_229 : vector<16xf32> to vector<16xf32>
    %swap3A_231 = vector.shape_cast %broadcast_in_dim3A_227 : vector<16xf32> to vector<16xf32>
    tpu.vector_store %arg9[%swap3A_228], %swap3A_231 {strides = array<i32>} : memref<1024xf32, #tpu.memory_space<vmem>>, vector<16xf32>,
    %broadcast_in_dim3A_232 = arith.constant 0.000000e+00 : f32
    %broadcast_in_dim3A_233 = vector.broadcast %broadcast_in_dim3A_232 : f32 to vector<16xf32>
    %swap3A_234 = arith.constant 624 : index
    %swap3A_235 = tpu.vector_load %arg9[%swap3A_234] {strides = array<i32>} : memref<1024xf32, #tpu.memory_space<vmem>>, vector<16xf32>,
    %swap3A_236 = vector.shape_cast %swap3A_235 : vector<16xf32> to vector<16xf32>
    %swap3A_237 = vector.shape_cast %broadcast_in_dim3A_233 : vector<16xf32> to vector<16xf32>
    tpu.vector_store %arg9[%swap3A_234], %swap3A_237 {strides = array<i32>} : memref<1024xf32, #tpu.memory_space<vmem>>, vector<16xf32>,
    %broadcast_in_dim3A_238 = arith.constant 0.000000e+00 : f32
    %broadcast_in_dim3A_239 = vector.broadcast %broadcast_in_dim3A_238 : f32 to vector<16xf32>
    %swap3A_240 = arith.constant 640 : index
    %swap3A_241 = tpu.vector_load %arg9[%swap3A_240] {strides = array<i32>} : memref<1024xf32, #tpu.memory_space<vmem>>, vector<16xf32>,
    %swap3A_242 = vector.shape_cast %swap3A_241 : vector<16xf32> to vector<16xf32>
    %swap3A_243 = vector.shape_cast %broadcast_in_dim3A_239 : vector<16xf32> to vector<16xf32>
    tpu.vector_store %arg9[%swap3A_240], %swap3A_243 {strides = array<i32>} : memref<1024xf32, #tpu.memory_space<vmem>>, vector<16xf32>,
    %broadcast_in_dim3A_244 = arith.constant 0.000000e+00 : f32
    %broadcast_in_dim3A_245 = vector.broadcast %broadcast_in_dim3A_244 : f32 to vector<16xf32>
    %swap3A_246 = arith.constant 656 : index
    %swap3A_247 = tpu.vector_load %arg9[%swap3A_246] {strides = array<i32>} : memref<1024xf32, #tpu.memory_space<vmem>>, vector<16xf32>,
    %swap3A_248 = vector.shape_cast %swap3A_247 : vector<16xf32> to vector<16xf32>
    %swap3A_249 = vector.shape_cast %broadcast_in_dim3A_245 : vector<16xf32> to vector<16xf32>
    tpu.vector_store %arg9[%swap3A_246], %swap3A_249 {strides = array<i32>} : memref<1024xf32, #tpu.memory_space<vmem>>, vector<16xf32>,
    %broadcast_in_dim3A_250 = arith.constant 0.000000e+00 : f32
    %broadcast_in_dim3A_251 = vector.broadcast %broadcast_in_dim3A_250 : f32 to vector<16xf32>
    %swap3A_252 = arith.constant 672 : index
    %swap3A_253 = tpu.vector_load %arg9[%swap3A_252] {strides = array<i32>} : memref<1024xf32, #tpu.memory_space<vmem>>, vector<16xf32>,
    %swap3A_254 = vector.shape_cast %swap3A_253 : vector<16xf32> to vector<16xf32>
    %swap3A_255 = vector.shape_cast %broadcast_in_dim3A_251 : vector<16xf32> to vector<16xf32>
    tpu.vector_store %arg9[%swap3A_252], %swap3A_255 {strides = array<i32>} : memref<1024xf32, #tpu.memory_space<vmem>>, vector<16xf32>,
    %broadcast_in_dim3A_256 = arith.constant 0.000000e+00 : f32
    %broadcast_in_dim3A_257 = vector.broadcast %broadcast_in_dim3A_256 : f32 to vector<16xf32>
    %swap3A_258 = arith.constant 688 : index
    %swap3A_259 = tpu.vector_load %arg9[%swap3A_258] {strides = array<i32>} : memref<1024xf32, #tpu.memory_space<vmem>>, vector<16xf32>,
    %swap3A_260 = vector.shape_cast %swap3A_259 : vector<16xf32> to vector<16xf32>
    %swap3A_261 = vector.shape_cast %broadcast_in_dim3A_257 : vector<16xf32> to vector<16xf32>
    tpu.vector_store %arg9[%swap3A_258], %swap3A_261 {strides = array<i32>} : memref<1024xf32, #tpu.memory_space<vmem>>, vector<16xf32>,
    %broadcast_in_dim3A_262 = arith.constant 0.000000e+00 : f32
    %broadcast_in_dim3A_263 = vector.broadcast %broadcast_in_dim3A_262 : f32 to vector<16xf32>
    %swap3A_264 = arith.constant 704 : index
    %swap3A_265 = tpu.vector_load %arg9[%swap3A_264] {strides = array<i32>} : memref<1024xf32, #tpu.memory_space<vmem>>, vector<16xf32>,
    %swap3A_266 = vector.shape_cast %swap3A_265 : vector<16xf32> to vector<16xf32>
    %swap3A_267 = vector.shape_cast %broadcast_in_dim3A_263 : vector<16xf32> to vector<16xf32>
    tpu.vector_store %arg9[%swap3A_264], %swap3A_267 {strides = array<i32>} : memref<1024xf32, #tpu.memory_space<vmem>>, vector<16xf32>,
    %broadcast_in_dim3A_268 = arith.constant 0.000000e+00 : f32
    %broadcast_in_dim3A_269 = vector.broadcast %broadcast_in_dim3A_268 : f32 to vector<16xf32>
    %swap3A_270 = arith.constant 720 : index
    %swap3A_271 = tpu.vector_load %arg9[%swap3A_270] {strides = array<i32>} : memref<1024xf32, #tpu.memory_space<vmem>>, vector<16xf32>,
    %swap3A_272 = vector.shape_cast %swap3A_271 : vector<16xf32> to vector<16xf32>
    %swap3A_273 = vector.shape_cast %broadcast_in_dim3A_269 : vector<16xf32> to vector<16xf32>
    tpu.vector_store %arg9[%swap3A_270], %swap3A_273 {strides = array<i32>} : memref<1024xf32, #tpu.memory_space<vmem>>, vector<16xf32>,
    %broadcast_in_dim3A_274 = arith.constant 0.000000e+00 : f32
    %broadcast_in_dim3A_275 = vector.broadcast %broadcast_in_dim3A_274 : f32 to vector<16xf32>
    %swap3A_276 = arith.constant 736 : index
    %swap3A_277 = tpu.vector_load %arg9[%swap3A_276] {strides = array<i32>} : memref<1024xf32, #tpu.memory_space<vmem>>, vector<16xf32>,
    %swap3A_278 = vector.shape_cast %swap3A_277 : vector<16xf32> to vector<16xf32>
    %swap3A_279 = vector.shape_cast %broadcast_in_dim3A_275 : vector<16xf32> to vector<16xf32>
    tpu.vector_store %arg9[%swap3A_276], %swap3A_279 {strides = array<i32>} : memref<1024xf32, #tpu.memory_space<vmem>>, vector<16xf32>,
    %broadcast_in_dim3A_280 = arith.constant 0.000000e+00 : f32
    %broadcast_in_dim3A_281 = vector.broadcast %broadcast_in_dim3A_280 : f32 to vector<16xf32>
    %swap3A_282 = arith.constant 752 : index
    %swap3A_283 = tpu.vector_load %arg9[%swap3A_282] {strides = array<i32>} : memref<1024xf32, #tpu.memory_space<vmem>>, vector<16xf32>,
    %swap3A_284 = vector.shape_cast %swap3A_283 : vector<16xf32> to vector<16xf32>
    %swap3A_285 = vector.shape_cast %broadcast_in_dim3A_281 : vector<16xf32> to vector<16xf32>
    tpu.vector_store %arg9[%swap3A_282], %swap3A_285 {strides = array<i32>} : memref<1024xf32, #tpu.memory_space<vmem>>, vector<16xf32>,
    %broadcast_in_dim3A_286 = arith.constant 0.000000e+00 : f32
    %broadcast_in_dim3A_287 = vector.broadcast %broadcast_in_dim3A_286 : f32 to vector<16xf32>
    %swap3A_288 = arith.constant 768 : index
    %swap3A_289 = tpu.vector_load %arg9[%swap3A_288] {strides = array<i32>} : memref<1024xf32, #tpu.memory_space<vmem>>, vector<16xf32>,
    %swap3A_290 = vector.shape_cast %swap3A_289 : vector<16xf32> to vector<16xf32>
    %swap3A_291 = vector.shape_cast %broadcast_in_dim3A_287 : vector<16xf32> to vector<16xf32>
    tpu.vector_store %arg9[%swap3A_288], %swap3A_291 {strides = array<i32>} : memref<1024xf32, #tpu.memory_space<vmem>>, vector<16xf32>,
    %broadcast_in_dim3A_292 = arith.constant 0.000000e+00 : f32
    %broadcast_in_dim3A_293 = vector.broadcast %broadcast_in_dim3A_292 : f32 to vector<16xf32>
    %swap3A_294 = arith.constant 784 : index
    %swap3A_295 = tpu.vector_load %arg9[%swap3A_294] {strides = array<i32>} : memref<1024xf32, #tpu.memory_space<vmem>>, vector<16xf32>,
    %swap3A_296 = vector.shape_cast %swap3A_295 : vector<16xf32> to vector<16xf32>
    %swap3A_297 = vector.shape_cast %broadcast_in_dim3A_293 : vector<16xf32> to vector<16xf32>
    tpu.vector_store %arg9[%swap3A_294], %swap3A_297 {strides = array<i32>} : memref<1024xf32, #tpu.memory_space<vmem>>, vector<16xf32>,
    %broadcast_in_dim3A_298 = arith.constant 0.000000e+00 : f32
    %broadcast_in_dim3A_299 = vector.broadcast %broadcast_in_dim3A_298 : f32 to vector<16xf32>
    %swap3A_300 = arith.constant 800 : index
    %swap3A_301 = tpu.vector_load %arg9[%swap3A_300] {strides = array<i32>} : memref<1024xf32, #tpu.memory_space<vmem>>, vector<16xf32>,
    %swap3A_302 = vector.shape_cast %swap3A_301 : vector<16xf32> to vector<16xf32>
    %swap3A_303 = vector.shape_cast %broadcast_in_dim3A_299 : vector<16xf32> to vector<16xf32>
    tpu.vector_store %arg9[%swap3A_300], %swap3A_303 {strides = array<i32>} : memref<1024xf32, #tpu.memory_space<vmem>>, vector<16xf32>,
    %broadcast_in_dim3A_304 = arith.constant 0.000000e+00 : f32
    %broadcast_in_dim3A_305 = vector.broadcast %broadcast_in_dim3A_304 : f32 to vector<16xf32>
    %swap3A_306 = arith.constant 816 : index
    %swap3A_307 = tpu.vector_load %arg9[%swap3A_306] {strides = array<i32>} : memref<1024xf32, #tpu.memory_space<vmem>>, vector<16xf32>,
    %swap3A_308 = vector.shape_cast %swap3A_307 : vector<16xf32> to vector<16xf32>
    %swap3A_309 = vector.shape_cast %broadcast_in_dim3A_305 : vector<16xf32> to vector<16xf32>
    tpu.vector_store %arg9[%swap3A_306], %swap3A_309 {strides = array<i32>} : memref<1024xf32, #tpu.memory_space<vmem>>, vector<16xf32>,
    %broadcast_in_dim3A_310 = arith.constant 0.000000e+00 : f32
    %broadcast_in_dim3A_311 = vector.broadcast %broadcast_in_dim3A_310 : f32 to vector<16xf32>
    %swap3A_312 = arith.constant 832 : index
    %swap3A_313 = tpu.vector_load %arg9[%swap3A_312] {strides = array<i32>} : memref<1024xf32, #tpu.memory_space<vmem>>, vector<16xf32>,
    %swap3A_314 = vector.shape_cast %swap3A_313 : vector<16xf32> to vector<16xf32>
    %swap3A_315 = vector.shape_cast %broadcast_in_dim3A_311 : vector<16xf32> to vector<16xf32>
    tpu.vector_store %arg9[%swap3A_312], %swap3A_315 {strides = array<i32>} : memref<1024xf32, #tpu.memory_space<vmem>>, vector<16xf32>,
    %broadcast_in_dim3A_316 = arith.constant 0.000000e+00 : f32
    %broadcast_in_dim3A_317 = vector.broadcast %broadcast_in_dim3A_316 : f32 to vector<16xf32>
    %swap3A_318 = arith.constant 848 : index
    %swap3A_319 = tpu.vector_load %arg9[%swap3A_318] {strides = array<i32>} : memref<1024xf32, #tpu.memory_space<vmem>>, vector<16xf32>,
    %swap3A_320 = vector.shape_cast %swap3A_319 : vector<16xf32> to vector<16xf32>
    %swap3A_321 = vector.shape_cast %broadcast_in_dim3A_317 : vector<16xf32> to vector<16xf32>
    tpu.vector_store %arg9[%swap3A_318], %swap3A_321 {strides = array<i32>} : memref<1024xf32, #tpu.memory_space<vmem>>, vector<16xf32>,
    %broadcast_in_dim3A_322 = arith.constant 0.000000e+00 : f32
    %broadcast_in_dim3A_323 = vector.broadcast %broadcast_in_dim3A_322 : f32 to vector<16xf32>
    %swap3A_324 = arith.constant 864 : index
    %swap3A_325 = tpu.vector_load %arg9[%swap3A_324] {strides = array<i32>} : memref<1024xf32, #tpu.memory_space<vmem>>, vector<16xf32>,
    %swap3A_326 = vector.shape_cast %swap3A_325 : vector<16xf32> to vector<16xf32>
    %swap3A_327 = vector.shape_cast %broadcast_in_dim3A_323 : vector<16xf32> to vector<16xf32>
    tpu.vector_store %arg9[%swap3A_324], %swap3A_327 {strides = array<i32>} : memref<1024xf32, #tpu.memory_space<vmem>>, vector<16xf32>,
    %broadcast_in_dim3A_328 = arith.constant 0.000000e+00 : f32
    %broadcast_in_dim3A_329 = vector.broadcast %broadcast_in_dim3A_328 : f32 to vector<16xf32>
    %swap3A_330 = arith.constant 880 : index
    %swap3A_331 = tpu.vector_load %arg9[%swap3A_330] {strides = array<i32>} : memref<1024xf32, #tpu.memory_space<vmem>>, vector<16xf32>,
    %swap3A_332 = vector.shape_cast %swap3A_331 : vector<16xf32> to vector<16xf32>
    %swap3A_333 = vector.shape_cast %broadcast_in_dim3A_329 : vector<16xf32> to vector<16xf32>
    tpu.vector_store %arg9[%swap3A_330], %swap3A_333 {strides = array<i32>} : memref<1024xf32, #tpu.memory_space<vmem>>, vector<16xf32>,
    %broadcast_in_dim3A_334 = arith.constant 0.000000e+00 : f32
    %broadcast_in_dim3A_335 = vector.broadcast %broadcast_in_dim3A_334 : f32 to vector<16xf32>
    %swap3A_336 = arith.constant 896 : index
    %swap3A_337 = tpu.vector_load %arg9[%swap3A_336] {strides = array<i32>} : memref<1024xf32, #tpu.memory_space<vmem>>, vector<16xf32>,
    %swap3A_338 = vector.shape_cast %swap3A_337 : vector<16xf32> to vector<16xf32>
    %swap3A_339 = vector.shape_cast %broadcast_in_dim3A_335 : vector<16xf32> to vector<16xf32>
    tpu.vector_store %arg9[%swap3A_336], %swap3A_339 {strides = array<i32>} : memref<1024xf32, #tpu.memory_space<vmem>>, vector<16xf32>,
    %broadcast_in_dim3A_340 = arith.constant 0.000000e+00 : f32
    %broadcast_in_dim3A_341 = vector.broadcast %broadcast_in_dim3A_340 : f32 to vector<16xf32>
    %swap3A_342 = arith.constant 912 : index
    %swap3A_343 = tpu.vector_load %arg9[%swap3A_342] {strides = array<i32>} : memref<1024xf32, #tpu.memory_space<vmem>>, vector<16xf32>,
    %swap3A_344 = vector.shape_cast %swap3A_343 : vector<16xf32> to vector<16xf32>
    %swap3A_345 = vector.shape_cast %broadcast_in_dim3A_341 : vector<16xf32> to vector<16xf32>
    tpu.vector_store %arg9[%swap3A_342], %swap3A_345 {strides = array<i32>} : memref<1024xf32, #tpu.memory_space<vmem>>, vector<16xf32>,
    %broadcast_in_dim3A_346 = arith.constant 0.000000e+00 : f32
    %broadcast_in_dim3A_347 = vector.broadcast %broadcast_in_dim3A_346 : f32 to vector<16xf32>
    %swap3A_348 = arith.constant 928 : index
    %swap3A_349 = tpu.vector_load %arg9[%swap3A_348] {strides = array<i32>} : memref<1024xf32, #tpu.memory_space<vmem>>, vector<16xf32>,
    %swap3A_350 = vector.shape_cast %swap3A_349 : vector<16xf32> to vector<16xf32>
    %swap3A_351 = vector.shape_cast %broadcast_in_dim3A_347 : vector<16xf32> to vector<16xf32>
    tpu.vector_store %arg9[%swap3A_348], %swap3A_351 {strides = array<i32>} : memref<1024xf32, #tpu.memory_space<vmem>>, vector<16xf32>,
    %broadcast_in_dim3A_352 = arith.constant 0.000000e+00 : f32
    %broadcast_in_dim3A_353 = vector.broadcast %broadcast_in_dim3A_352 : f32 to vector<16xf32>
    %swap3A_354 = arith.constant 944 : index
    %swap3A_355 = tpu.vector_load %arg9[%swap3A_354] {strides = array<i32>} : memref<1024xf32, #tpu.memory_space<vmem>>, vector<16xf32>,
    %swap3A_356 = vector.shape_cast %swap3A_355 : vector<16xf32> to vector<16xf32>
    %swap3A_357 = vector.shape_cast %broadcast_in_dim3A_353 : vector<16xf32> to vector<16xf32>
    tpu.vector_store %arg9[%swap3A_354], %swap3A_357 {strides = array<i32>} : memref<1024xf32, #tpu.memory_space<vmem>>, vector<16xf32>,
    %broadcast_in_dim3A_358 = arith.constant 0.000000e+00 : f32
    %broadcast_in_dim3A_359 = vector.broadcast %broadcast_in_dim3A_358 : f32 to vector<16xf32>
    %swap3A_360 = arith.constant 960 : index
    %swap3A_361 = tpu.vector_load %arg9[%swap3A_360] {strides = array<i32>} : memref<1024xf32, #tpu.memory_space<vmem>>, vector<16xf32>,
    %swap3A_362 = vector.shape_cast %swap3A_361 : vector<16xf32> to vector<16xf32>
    %swap3A_363 = vector.shape_cast %broadcast_in_dim3A_359 : vector<16xf32> to vector<16xf32>
    tpu.vector_store %arg9[%swap3A_360], %swap3A_363 {strides = array<i32>} : memref<1024xf32, #tpu.memory_space<vmem>>, vector<16xf32>,
    %broadcast_in_dim3A_364 = arith.constant 0.000000e+00 : f32
    %broadcast_in_dim3A_365 = vector.broadcast %broadcast_in_dim3A_364 : f32 to vector<16xf32>
    %swap3A_366 = arith.constant 976 : index
    %swap3A_367 = tpu.vector_load %arg9[%swap3A_366] {strides = array<i32>} : memref<1024xf32, #tpu.memory_space<vmem>>, vector<16xf32>,
    %swap3A_368 = vector.shape_cast %swap3A_367 : vector<16xf32> to vector<16xf32>
    %swap3A_369 = vector.shape_cast %broadcast_in_dim3A_365 : vector<16xf32> to vector<16xf32>
    tpu.vector_store %arg9[%swap3A_366], %swap3A_369 {strides = array<i32>} : memref<1024xf32, #tpu.memory_space<vmem>>, vector<16xf32>,
    %broadcast_in_dim3A_370 = arith.constant 0.000000e+00 : f32
    %broadcast_in_dim3A_371 = vector.broadcast %broadcast_in_dim3A_370 : f32 to vector<16xf32>
    %swap3A_372 = arith.constant 992 : index
    %swap3A_373 = tpu.vector_load %arg9[%swap3A_372] {strides = array<i32>} : memref<1024xf32, #tpu.memory_space<vmem>>, vector<16xf32>,
    %swap3A_374 = vector.shape_cast %swap3A_373 : vector<16xf32> to vector<16xf32>
    %swap3A_375 = vector.shape_cast %broadcast_in_dim3A_371 : vector<16xf32> to vector<16xf32>
    tpu.vector_store %arg9[%swap3A_372], %swap3A_375 {strides = array<i32>} : memref<1024xf32, #tpu.memory_space<vmem>>, vector<16xf32>,
    %broadcast_in_dim3A_376 = arith.constant 0.000000e+00 : f32
    %broadcast_in_dim3A_377 = vector.broadcast %broadcast_in_dim3A_376 : f32 to vector<16xf32>
    %swap3A_378 = arith.constant 1008 : index
    %swap3A_379 = tpu.vector_load %arg9[%swap3A_378] {strides = array<i32>} : memref<1024xf32, #tpu.memory_space<vmem>>, vector<16xf32>,
    %swap3A_380 = vector.shape_cast %swap3A_379 : vector<16xf32> to vector<16xf32>
    %swap3A_381 = vector.shape_cast %broadcast_in_dim3A_377 : vector<16xf32> to vector<16xf32>
    tpu.vector_store %arg9[%swap3A_378], %swap3A_381 {strides = array<i32>} : memref<1024xf32, #tpu.memory_space<vmem>>, vector<16xf32>,
    %mul3A = arith.constant 1024 : i32
    %mul3A_382 = arith.muli %arg1, %mul3A : i32
    "tpu.region"() ({
      %run_scoped3A_798 = tpu.sem_alloc : memref<!tpu.dma_semaphore, #tpu.memory_space<semaphore_mem>>
      %dma_start3A_799 = tpu.memref_slice %arg10[%mul3A_382] : memref<16384xf32, #tpu.memory_space<vmem_shared>> -> memref<1024xf32, #tpu.memory_space<vmem_shared>>
      %dma_start3A_800 = tpu.memref_slice %arg10[%mul3A_382] : memref<16384xf32, #tpu.memory_space<vmem_shared>> -> memref<1024xf32, #tpu.memory_space<vmem_shared>>
      tpu.enqueue_dma source(%arg9 : memref<1024xf32, #tpu.memory_space<vmem>>) target(%dma_start3A_800 : memref<1024xf32, #tpu.memory_space<vmem_shared>>) target_semaphore(%run_scoped3A_798 : memref<!tpu.dma_semaphore, #tpu.memory_space<semaphore_mem>>)
      %dma_wait3A_801 = tpu.memref_slice %arg10[%mul3A_382] : memref<16384xf32, #tpu.memory_space<vmem_shared>> -> memref<1024xf32, #tpu.memory_space<vmem_shared>>
      %dma_wait3A_802 = tpu.memref_slice %arg10[%mul3A_382] : memref<16384xf32, #tpu.memory_space<vmem_shared>> -> memref<1024xf32, #tpu.memory_space<vmem_shared>>
      tpu.wait_dma2 semaphore(%run_scoped3A_798 : memref<!tpu.dma_semaphore, #tpu.memory_space<semaphore_mem>>) src(%arg9 : memref<1024xf32, #tpu.memory_space<vmem>>) dst(%dma_wait3A_802 : memref<1024xf32, #tpu.memory_space<vmem_shared>>)
      tpu.yield
    }) : () -> ()
    %barrier3A = arith.constant 0 : index
    tpu.barrier barrier_id(%barrier3A)
    %lt3A = arith.constant 9 : i32
    %lt3A_383 = arith.cmpi slt, %arg1, %lt3A : i32
    %mul3A_384 = arith.constant 2 : i32
    %mul3A_385 = arith.muli %mul3A_384, %arg1 : i32
    %mul3A_386 = arith.constant 128 : i32
    %mul3A_387 = arith.muli %mul3A_385, %mul3A_386 : i32
    %mul3A_388 = arith.constant 128 : i32
    %mul3A_389 = arith.muli %mul3A_385, %mul3A_388 : i32
    %add3A = arith.constant 6400 : i32
    %add3A_390 = arith.addi %add3A, %mul3A_389 : i32
    %dma_start3A = arith.constant 0 : i32
    %dma_start3A_391 = tpu.memref_slice %arg5[%dma_start3A] : memref<512xi32, #tpu.memory_space<vmem>> -> memref<256xi32, #tpu.memory_space<vmem>>
    %dma_start3A_392 = tpu.memref_slice %arg2[%mul3A_387] : memref<12800xi32, #tpu.memory_space<hbm>> -> memref<256xi32, #tpu.memory_space<hbm>>
    %dma_start3A_393 = arith.constant 0 : i32
    %dma_start3A_394 = tpu.memref_slice %arg5[%dma_start3A_393] : memref<512xi32, #tpu.memory_space<vmem>> -> memref<256xi32, #tpu.memory_space<vmem>>
    %dma_start3A_395 = tpu.memref_slice %arg2[%mul3A_387] : memref<12800xi32, #tpu.memory_space<hbm>> -> memref<256xi32, #tpu.memory_space<hbm>>
    tpu.enqueue_dma source(%dma_start3A_395 : memref<256xi32, #tpu.memory_space<hbm>>) target(%dma_start3A_394 : memref<256xi32, #tpu.memory_space<vmem>>) target_semaphore(%arg11 : memref<!tpu.dma_semaphore, #tpu.memory_space<semaphore_mem>>)
    %dma_start3A_396 = arith.constant 0 : i32
    %dma_start3A_397 = tpu.memref_slice %arg6[%dma_start3A_396] : memref<512xi32, #tpu.memory_space<vmem>> -> memref<256xi32, #tpu.memory_space<vmem>>
    %dma_start3A_398 = tpu.memref_slice %arg2[%add3A_390] : memref<12800xi32, #tpu.memory_space<hbm>> -> memref<256xi32, #tpu.memory_space<hbm>>
    %dma_start3A_399 = arith.constant 0 : i32
    %dma_start3A_400 = tpu.memref_slice %arg6[%dma_start3A_399] : memref<512xi32, #tpu.memory_space<vmem>> -> memref<256xi32, #tpu.memory_space<vmem>>
    %dma_start3A_401 = tpu.memref_slice %arg2[%add3A_390] : memref<12800xi32, #tpu.memory_space<hbm>> -> memref<256xi32, #tpu.memory_space<hbm>>
    tpu.enqueue_dma source(%dma_start3A_401 : memref<256xi32, #tpu.memory_space<hbm>>) target(%dma_start3A_400 : memref<256xi32, #tpu.memory_space<vmem>>) target_semaphore(%arg11 : memref<!tpu.dma_semaphore, #tpu.memory_space<semaphore_mem>>)
    %dma_start3A_402 = arith.constant 0 : i32
    %dma_start3A_403 = tpu.memref_slice %arg7[%dma_start3A_402] : memref<512xf32, #tpu.memory_space<vmem>> -> memref<256xf32, #tpu.memory_space<vmem>>
    %dma_start3A_404 = tpu.memref_slice %arg3[%mul3A_387] : memref<6400xf32, #tpu.memory_space<hbm>> -> memref<256xf32, #tpu.memory_space<hbm>>
    %dma_start3A_405 = arith.constant 0 : i32
    %dma_start3A_406 = tpu.memref_slice %arg7[%dma_start3A_405] : memref<512xf32, #tpu.memory_space<vmem>> -> memref<256xf32, #tpu.memory_space<vmem>>
    %dma_start3A_407 = tpu.memref_slice %arg3[%mul3A_387] : memref<6400xf32, #tpu.memory_space<hbm>> -> memref<256xf32, #tpu.memory_space<hbm>>
    tpu.enqueue_dma source(%dma_start3A_407 : memref<256xf32, #tpu.memory_space<hbm>>) target(%dma_start3A_406 : memref<256xf32, #tpu.memory_space<vmem>>) target_semaphore(%arg11 : memref<!tpu.dma_semaphore, #tpu.memory_space<semaphore_mem>>)
    %convert_element_type3A = arith.extui %lt3A_383 : i1 to i32
    %cond3A = arith.constant 0 : i32
    %cond3A_408 = arith.cmpi ne, %convert_element_type3A, %cond3A : i32
    scf.if %cond3A_408 {
      %mul3A_798 = arith.constant 2 : i32
      %mul3A_799 = arith.muli %mul3A_798, %arg1 : i32
      %add3A_800 = arith.constant 32 : i32
      %add3A_801 = arith.addi %add3A_800, %mul3A_799 : i32
      %mul3A_802 = arith.constant 128 : i32
      %mul3A_803 = arith.muli %add3A_801, %mul3A_802 : i32
      %mul3A_804 = arith.constant 128 : i32
      %mul3A_805 = arith.muli %add3A_801, %mul3A_804 : i32
      %add3A_806 = arith.constant 6400 : i32
      %add3A_807 = arith.addi %add3A_806, %mul3A_805 : i32
      %dma_start3A_808 = arith.constant 256 : i32
      %dma_start3A_809 = tpu.memref_slice %arg5[%dma_start3A_808] : memref<512xi32, #tpu.memory_space<vmem>> -> memref<256xi32, #tpu.memory_space<vmem>>
      %dma_start3A_810 = tpu.memref_slice %arg2[%mul3A_803] : memref<12800xi32, #tpu.memory_space<hbm>> -> memref<256xi32, #tpu.memory_space<hbm>>
      %dma_start3A_811 = arith.constant 256 : i32
      %dma_start3A_812 = tpu.memref_slice %arg5[%dma_start3A_811] : memref<512xi32, #tpu.memory_space<vmem>> -> memref<256xi32, #tpu.memory_space<vmem>>
      %dma_start3A_813 = tpu.memref_slice %arg2[%mul3A_803] : memref<12800xi32, #tpu.memory_space<hbm>> -> memref<256xi32, #tpu.memory_space<hbm>>
      tpu.enqueue_dma source(%dma_start3A_813 : memref<256xi32, #tpu.memory_space<hbm>>) target(%dma_start3A_812 : memref<256xi32, #tpu.memory_space<vmem>>) target_semaphore(%arg11 : memref<!tpu.dma_semaphore, #tpu.memory_space<semaphore_mem>>)
      %dma_start3A_814 = arith.constant 256 : i32
      %dma_start3A_815 = tpu.memref_slice %arg6[%dma_start3A_814] : memref<512xi32, #tpu.memory_space<vmem>> -> memref<256xi32, #tpu.memory_space<vmem>>
      %dma_start3A_816 = tpu.memref_slice %arg2[%add3A_807] : memref<12800xi32, #tpu.memory_space<hbm>> -> memref<256xi32, #tpu.memory_space<hbm>>
      %dma_start3A_817 = arith.constant 256 : i32
      %dma_start3A_818 = tpu.memref_slice %arg6[%dma_start3A_817] : memref<512xi32, #tpu.memory_space<vmem>> -> memref<256xi32, #tpu.memory_space<vmem>>
      %dma_start3A_819 = tpu.memref_slice %arg2[%add3A_807] : memref<12800xi32, #tpu.memory_space<hbm>> -> memref<256xi32, #tpu.memory_space<hbm>>
      tpu.enqueue_dma source(%dma_start3A_819 : memref<256xi32, #tpu.memory_space<hbm>>) target(%dma_start3A_818 : memref<256xi32, #tpu.memory_space<vmem>>) target_semaphore(%arg11 : memref<!tpu.dma_semaphore, #tpu.memory_space<semaphore_mem>>)
      %dma_start3A_820 = arith.constant 256 : i32
      %dma_start3A_821 = tpu.memref_slice %arg7[%dma_start3A_820] : memref<512xf32, #tpu.memory_space<vmem>> -> memref<256xf32, #tpu.memory_space<vmem>>
      %dma_start3A_822 = tpu.memref_slice %arg3[%mul3A_803] : memref<6400xf32, #tpu.memory_space<hbm>> -> memref<256xf32, #tpu.memory_space<hbm>>
      %dma_start3A_823 = arith.constant 256 : i32
      %dma_start3A_824 = tpu.memref_slice %arg7[%dma_start3A_823] : memref<512xf32, #tpu.memory_space<vmem>> -> memref<256xf32, #tpu.memory_space<vmem>>
      %dma_start3A_825 = tpu.memref_slice %arg3[%mul3A_803] : memref<6400xf32, #tpu.memory_space<hbm>> -> memref<256xf32, #tpu.memory_space<hbm>>
      tpu.enqueue_dma source(%dma_start3A_825 : memref<256xf32, #tpu.memory_space<hbm>>) target(%dma_start3A_824 : memref<256xf32, #tpu.memory_space<vmem>>) target_semaphore(%arg11 : memref<!tpu.dma_semaphore, #tpu.memory_space<semaphore_mem>>)
    } else {
    }
    %dma_wait3A = arith.constant 0 : i32
    %dma_wait3A_409 = tpu.memref_slice %arg5[%dma_wait3A] : memref<512xi32, #tpu.memory_space<vmem>> -> memref<256xi32, #tpu.memory_space<vmem>>
    %dma_wait3A_410 = tpu.memref_slice %arg2[%mul3A_387] : memref<12800xi32, #tpu.memory_space<hbm>> -> memref<256xi32, #tpu.memory_space<hbm>>
    %dma_wait3A_411 = arith.constant 0 : i32
    %dma_wait3A_412 = tpu.memref_slice %arg5[%dma_wait3A_411] : memref<512xi32, #tpu.memory_space<vmem>> -> memref<256xi32, #tpu.memory_space<vmem>>
    %dma_wait3A_413 = tpu.memref_slice %arg2[%mul3A_387] : memref<12800xi32, #tpu.memory_space<hbm>> -> memref<256xi32, #tpu.memory_space<hbm>>
    tpu.wait_dma2 semaphore(%arg11 : memref<!tpu.dma_semaphore, #tpu.memory_space<semaphore_mem>>) src(%dma_wait3A_413 : memref<256xi32, #tpu.memory_space<hbm>>) dst(%dma_wait3A_412 : memref<256xi32, #tpu.memory_space<vmem>>)
    %dma_wait3A_414 = arith.constant 0 : i32
    %dma_wait3A_415 = tpu.memref_slice %arg6[%dma_wait3A_414] : memref<512xi32, #tpu.memory_space<vmem>> -> memref<256xi32, #tpu.memory_space<vmem>>
    %dma_wait3A_416 = tpu.memref_slice %arg2[%add3A_390] : memref<12800xi32, #tpu.memory_space<hbm>> -> memref<256xi32, #tpu.memory_space<hbm>>
    %dma_wait3A_417 = arith.constant 0 : i32
    %dma_wait3A_418 = tpu.memref_slice %arg6[%dma_wait3A_417] : memref<512xi32, #tpu.memory_space<vmem>> -> memref<256xi32, #tpu.memory_space<vmem>>
    %dma_wait3A_419 = tpu.memref_slice %arg2[%add3A_390] : memref<12800xi32, #tpu.memory_space<hbm>> -> memref<256xi32, #tpu.memory_space<hbm>>
    tpu.wait_dma2 semaphore(%arg11 : memref<!tpu.dma_semaphore, #tpu.memory_space<semaphore_mem>>) src(%dma_wait3A_419 : memref<256xi32, #tpu.memory_space<hbm>>) dst(%dma_wait3A_418 : memref<256xi32, #tpu.memory_space<vmem>>)
    %dma_wait3A_420 = arith.constant 0 : i32
    %dma_wait3A_421 = tpu.memref_slice %arg7[%dma_wait3A_420] : memref<512xf32, #tpu.memory_space<vmem>> -> memref<256xf32, #tpu.memory_space<vmem>>
    %dma_wait3A_422 = tpu.memref_slice %arg3[%mul3A_387] : memref<6400xf32, #tpu.memory_space<hbm>> -> memref<256xf32, #tpu.memory_space<hbm>>
    %dma_wait3A_423 = arith.constant 0 : i32
    %dma_wait3A_424 = tpu.memref_slice %arg7[%dma_wait3A_423] : memref<512xf32, #tpu.memory_space<vmem>> -> memref<256xf32, #tpu.memory_space<vmem>>
    %dma_wait3A_425 = tpu.memref_slice %arg3[%mul3A_387] : memref<6400xf32, #tpu.memory_space<hbm>> -> memref<256xf32, #tpu.memory_space<hbm>>
    tpu.wait_dma2 semaphore(%arg11 : memref<!tpu.dma_semaphore, #tpu.memory_space<semaphore_mem>>) src(%dma_wait3A_425 : memref<256xf32, #tpu.memory_space<hbm>>) dst(%dma_wait3A_424 : memref<256xf32, #tpu.memory_space<vmem>>)
    %get3A = arith.constant 0 : index
    %get3A_426 = tpu.vector_load %arg6[%get3A] {strides = array<i32>} : memref<512xi32, #tpu.memory_space<vmem>>, vector<16xi32>,
    %get3A_427 = vector.shape_cast %get3A_426 : vector<16xi32> to vector<16xi32>
    %mul3A_428 = arith.constant 128 : i32
    %mul3A_429 = vector.broadcast %mul3A_428 : i32 to vector<16xi32>
    %mul3A_430 = arith.muli %get3A_427, %mul3A_429 : vector<16xi32>
    %get3A_431 = arith.constant 0 : index
    %get3A_432 = tpu.vector_load %arg5[%get3A_431] {strides = array<i32>} : memref<512xi32, #tpu.memory_space<vmem>>, vector<16xi32>,
    %get3A_433 = vector.shape_cast %get3A_432 : vector<16xi32> to vector<16xi32>
    %add3A_434 = arith.addi %mul3A_430, %get3A_433 : vector<16xi32>
    %swap3A_435 = arith.constant 0 : i32
    %swap3A_436 = arith.index_cast %swap3A_435 : i32 to index
    %swap3A_437 = arith.constant 0 : index
    %swap3A_438 = tpu.vector_load %arg8[%swap3A_436, %swap3A_437] {strides = array<i32>} : memref<4x128xi32, #tpu.memory_space<vmem>>, vector<1x16xi32>,
    %swap3A_439 = vector.shape_cast %swap3A_438 : vector<1x16xi32> to vector<16xi32>
    %swap3A_440 = vector.shape_cast %add3A_434 : vector<16xi32> to vector<1x16xi32>
    tpu.vector_store %arg8[%swap3A_436, %swap3A_437], %swap3A_440 {strides = array<i32>} : memref<4x128xi32, #tpu.memory_space<vmem>>, vector<1x16xi32>,
    %get3A_441 = arith.constant 16 : index
    %get3A_442 = tpu.vector_load %arg6[%get3A_441] {strides = array<i32>} : memref<512xi32, #tpu.memory_space<vmem>>, vector<16xi32>,
    %get3A_443 = vector.shape_cast %get3A_442 : vector<16xi32> to vector<16xi32>
    %mul3A_444 = arith.constant 128 : i32
    %mul3A_445 = vector.broadcast %mul3A_444 : i32 to vector<16xi32>
    %mul3A_446 = arith.muli %get3A_443, %mul3A_445 : vector<16xi32>
    %get3A_447 = arith.constant 16 : index
    %get3A_448 = tpu.vector_load %arg5[%get3A_447] {strides = array<i32>} : memref<512xi32, #tpu.memory_space<vmem>>, vector<16xi32>,
    %get3A_449 = vector.shape_cast %get3A_448 : vector<16xi32> to vector<16xi32>
    %add3A_450 = arith.addi %mul3A_446, %get3A_449 : vector<16xi32>
    %swap3A_451 = arith.constant 0 : i32
    %swap3A_452 = arith.index_cast %swap3A_451 : i32 to index
    %swap3A_453 = arith.constant 16 : index
    %swap3A_454 = tpu.vector_load %arg8[%swap3A_452, %swap3A_453] {strides = array<i32>} : memref<4x128xi32, #tpu.memory_space<vmem>>, vector<1x16xi32>,
    %swap3A_455 = vector.shape_cast %swap3A_454 : vector<1x16xi32> to vector<16xi32>
    %swap3A_456 = vector.shape_cast %add3A_450 : vector<16xi32> to vector<1x16xi32>
    tpu.vector_store %arg8[%swap3A_452, %swap3A_453], %swap3A_456 {strides = array<i32>} : memref<4x128xi32, #tpu.memory_space<vmem>>, vector<1x16xi32>,
    %get3A_457 = arith.constant 32 : index
    %get3A_458 = tpu.vector_load %arg6[%get3A_457] {strides = array<i32>} : memref<512xi32, #tpu.memory_space<vmem>>, vector<16xi32>,
    %get3A_459 = vector.shape_cast %get3A_458 : vector<16xi32> to vector<16xi32>
    %mul3A_460 = arith.constant 128 : i32
    %mul3A_461 = vector.broadcast %mul3A_460 : i32 to vector<16xi32>
    %mul3A_462 = arith.muli %get3A_459, %mul3A_461 : vector<16xi32>
    %get3A_463 = arith.constant 32 : index
    %get3A_464 = tpu.vector_load %arg5[%get3A_463] {strides = array<i32>} : memref<512xi32, #tpu.memory_space<vmem>>, vector<16xi32>,
    %get3A_465 = vector.shape_cast %get3A_464 : vector<16xi32> to vector<16xi32>
    %add3A_466 = arith.addi %mul3A_462, %get3A_465 : vector<16xi32>
    %swap3A_467 = arith.constant 0 : i32
    %swap3A_468 = arith.index_cast %swap3A_467 : i32 to index
    %swap3A_469 = arith.constant 32 : index
    %swap3A_470 = tpu.vector_load %arg8[%swap3A_468, %swap3A_469] {strides = array<i32>} : memref<4x128xi32, #tpu.memory_space<vmem>>, vector<1x16xi32>,
    %swap3A_471 = vector.shape_cast %swap3A_470 : vector<1x16xi32> to vector<16xi32>
    %swap3A_472 = vector.shape_cast %add3A_466 : vector<16xi32> to vector<1x16xi32>
    tpu.vector_store %arg8[%swap3A_468, %swap3A_469], %swap3A_472 {strides = array<i32>} : memref<4x128xi32, #tpu.memory_space<vmem>>, vector<1x16xi32>,
    %get3A_473 = arith.constant 48 : index
    %get3A_474 = tpu.vector_load %arg6[%get3A_473] {strides = array<i32>} : memref<512xi32, #tpu.memory_space<vmem>>, vector<16xi32>,
    %get3A_475 = vector.shape_cast %get3A_474 : vector<16xi32> to vector<16xi32>
    %mul3A_476 = arith.constant 128 : i32
    %mul3A_477 = vector.broadcast %mul3A_476 : i32 to vector<16xi32>
    %mul3A_478 = arith.muli %get3A_475, %mul3A_477 : vector<16xi32>
    %get3A_479 = arith.constant 48 : index
    %get3A_480 = tpu.vector_load %arg5[%get3A_479] {strides = array<i32>} : memref<512xi32, #tpu.memory_space<vmem>>, vector<16xi32>,
    %get3A_481 = vector.shape_cast %get3A_480 : vector<16xi32> to vector<16xi32>
    %add3A_482 = arith.addi %mul3A_478, %get3A_481 : vector<16xi32>
    %swap3A_483 = arith.constant 0 : i32
    %swap3A_484 = arith.index_cast %swap3A_483 : i32 to index
    %swap3A_485 = arith.constant 48 : index
    %swap3A_486 = tpu.vector_load %arg8[%swap3A_484, %swap3A_485] {strides = array<i32>} : memref<4x128xi32, #tpu.memory_space<vmem>>, vector<1x16xi32>,
    %swap3A_487 = vector.shape_cast %swap3A_486 : vector<1x16xi32> to vector<16xi32>
    %swap3A_488 = vector.shape_cast %add3A_482 : vector<16xi32> to vector<1x16xi32>
    tpu.vector_store %arg8[%swap3A_484, %swap3A_485], %swap3A_488 {strides = array<i32>} : memref<4x128xi32, #tpu.memory_space<vmem>>, vector<1x16xi32>,
    %get3A_489 = arith.constant 64 : index
    %get3A_490 = tpu.vector_load %arg6[%get3A_489] {strides = array<i32>} : memref<512xi32, #tpu.memory_space<vmem>>, vector<16xi32>,
    %get3A_491 = vector.shape_cast %get3A_490 : vector<16xi32> to vector<16xi32>
    %mul3A_492 = arith.constant 128 : i32
    %mul3A_493 = vector.broadcast %mul3A_492 : i32 to vector<16xi32>
    %mul3A_494 = arith.muli %get3A_491, %mul3A_493 : vector<16xi32>
    %get3A_495 = arith.constant 64 : index
    %get3A_496 = tpu.vector_load %arg5[%get3A_495] {strides = array<i32>} : memref<512xi32, #tpu.memory_space<vmem>>, vector<16xi32>,
    %get3A_497 = vector.shape_cast %get3A_496 : vector<16xi32> to vector<16xi32>
    %add3A_498 = arith.addi %mul3A_494, %get3A_497 : vector<16xi32>
    %swap3A_499 = arith.constant 0 : i32
    %swap3A_500 = arith.index_cast %swap3A_499 : i32 to index
    %swap3A_501 = arith.constant 64 : index
    %swap3A_502 = tpu.vector_load %arg8[%swap3A_500, %swap3A_501] {strides = array<i32>} : memref<4x128xi32, #tpu.memory_space<vmem>>, vector<1x16xi32>,
    %swap3A_503 = vector.shape_cast %swap3A_502 : vector<1x16xi32> to vector<16xi32>
    %swap3A_504 = vector.shape_cast %add3A_498 : vector<16xi32> to vector<1x16xi32>
    tpu.vector_store %arg8[%swap3A_500, %swap3A_501], %swap3A_504 {strides = array<i32>} : memref<4x128xi32, #tpu.memory_space<vmem>>, vector<1x16xi32>,
    %get3A_505 = arith.constant 80 : index
    %get3A_506 = tpu.vector_load %arg6[%get3A_505] {strides = array<i32>} : memref<512xi32, #tpu.memory_space<vmem>>, vector<16xi32>,
    %get3A_507 = vector.shape_cast %get3A_506 : vector<16xi32> to vector<16xi32>
    %mul3A_508 = arith.constant 128 : i32
    %mul3A_509 = vector.broadcast %mul3A_508 : i32 to vector<16xi32>
    %mul3A_510 = arith.muli %get3A_507, %mul3A_509 : vector<16xi32>
    %get3A_511 = arith.constant 80 : index
    %get3A_512 = tpu.vector_load %arg5[%get3A_511] {strides = array<i32>} : memref<512xi32, #tpu.memory_space<vmem>>, vector<16xi32>,
    %get3A_513 = vector.shape_cast %get3A_512 : vector<16xi32> to vector<16xi32>
    %add3A_514 = arith.addi %mul3A_510, %get3A_513 : vector<16xi32>
    %swap3A_515 = arith.constant 0 : i32
    %swap3A_516 = arith.index_cast %swap3A_515 : i32 to index
    %swap3A_517 = arith.constant 80 : index
    %swap3A_518 = tpu.vector_load %arg8[%swap3A_516, %swap3A_517] {strides = array<i32>} : memref<4x128xi32, #tpu.memory_space<vmem>>, vector<1x16xi32>,
    %swap3A_519 = vector.shape_cast %swap3A_518 : vector<1x16xi32> to vector<16xi32>
    %swap3A_520 = vector.shape_cast %add3A_514 : vector<16xi32> to vector<1x16xi32>
    tpu.vector_store %arg8[%swap3A_516, %swap3A_517], %swap3A_520 {strides = array<i32>} : memref<4x128xi32, #tpu.memory_space<vmem>>, vector<1x16xi32>,
    %get3A_521 = arith.constant 96 : index
    %get3A_522 = tpu.vector_load %arg6[%get3A_521] {strides = array<i32>} : memref<512xi32, #tpu.memory_space<vmem>>, vector<16xi32>,
    %get3A_523 = vector.shape_cast %get3A_522 : vector<16xi32> to vector<16xi32>
    %mul3A_524 = arith.constant 128 : i32
    %mul3A_525 = vector.broadcast %mul3A_524 : i32 to vector<16xi32>
    %mul3A_526 = arith.muli %get3A_523, %mul3A_525 : vector<16xi32>
    %get3A_527 = arith.constant 96 : index
    %get3A_528 = tpu.vector_load %arg5[%get3A_527] {strides = array<i32>} : memref<512xi32, #tpu.memory_space<vmem>>, vector<16xi32>,
    %get3A_529 = vector.shape_cast %get3A_528 : vector<16xi32> to vector<16xi32>
    %add3A_530 = arith.addi %mul3A_526, %get3A_529 : vector<16xi32>
    %swap3A_531 = arith.constant 0 : i32
    %swap3A_532 = arith.index_cast %swap3A_531 : i32 to index
    %swap3A_533 = arith.constant 96 : index
    %swap3A_534 = tpu.vector_load %arg8[%swap3A_532, %swap3A_533] {strides = array<i32>} : memref<4x128xi32, #tpu.memory_space<vmem>>, vector<1x16xi32>,
    %swap3A_535 = vector.shape_cast %swap3A_534 : vector<1x16xi32> to vector<16xi32>
    %swap3A_536 = vector.shape_cast %add3A_530 : vector<16xi32> to vector<1x16xi32>
    tpu.vector_store %arg8[%swap3A_532, %swap3A_533], %swap3A_536 {strides = array<i32>} : memref<4x128xi32, #tpu.memory_space<vmem>>, vector<1x16xi32>,
    %get3A_537 = arith.constant 112 : index
    %get3A_538 = tpu.vector_load %arg6[%get3A_537] {strides = array<i32>} : memref<512xi32, #tpu.memory_space<vmem>>, vector<16xi32>,
    %get3A_539 = vector.shape_cast %get3A_538 : vector<16xi32> to vector<16xi32>
    %mul3A_540 = arith.constant 128 : i32
    %mul3A_541 = vector.broadcast %mul3A_540 : i32 to vector<16xi32>
    %mul3A_542 = arith.muli %get3A_539, %mul3A_541 : vector<16xi32>
    %get3A_543 = arith.constant 112 : index
    %get3A_544 = tpu.vector_load %arg5[%get3A_543] {strides = array<i32>} : memref<512xi32, #tpu.memory_space<vmem>>, vector<16xi32>,
    %get3A_545 = vector.shape_cast %get3A_544 : vector<16xi32> to vector<16xi32>
    %add3A_546 = arith.addi %mul3A_542, %get3A_545 : vector<16xi32>
    %swap3A_547 = arith.constant 0 : i32
    %swap3A_548 = arith.index_cast %swap3A_547 : i32 to index
    %swap3A_549 = arith.constant 112 : index
    %swap3A_550 = tpu.vector_load %arg8[%swap3A_548, %swap3A_549] {strides = array<i32>} : memref<4x128xi32, #tpu.memory_space<vmem>>, vector<1x16xi32>,
    %swap3A_551 = vector.shape_cast %swap3A_550 : vector<1x16xi32> to vector<16xi32>
    %swap3A_552 = vector.shape_cast %add3A_546 : vector<16xi32> to vector<1x16xi32>
    tpu.vector_store %arg8[%swap3A_548, %swap3A_549], %swap3A_552 {strides = array<i32>} : memref<4x128xi32, #tpu.memory_space<vmem>>, vector<1x16xi32>,
    %run_scoped3A = arith.constant 0 : i32
    "tpu.region"() ({
      %run_scoped3A_798 = tpu.sem_alloc : memref<!tpu.dma_semaphore, #tpu.memory_space<semaphore_mem>>
      %dma_start3A_799 = arith.constant 0 : i32
      %dma_start3A_800 = tpu.memref_slice %arg7[%dma_start3A_799] : memref<512xf32, #tpu.memory_space<vmem>> -> memref<128xf32, #tpu.memory_space<vmem>>
      %dma_start3A_801 = arith.constant 0 : i32
      %dma_start3A_802 = tpu.memref_slice %arg8[%run_scoped3A, %dma_start3A_801] : memref<4x128xi32, #tpu.memory_space<vmem>> -> memref<1x128xi32, #tpu.memory_space<vmem>>
      %dma_start3A_803 = tpu.memref_squeeze %dma_start3A_802 : memref<1x128xi32, #tpu.memory_space<vmem>> -> memref<128xi32, #tpu.memory_space<vmem>>
      %dma_start3A_804 = arith.constant 0 : i32
      %dma_start3A_805 = tpu.memref_slice %arg10[%dma_start3A_804] : memref<16384xf32, #tpu.memory_space<vmem_shared>> -> memref<16384xf32, #tpu.memory_space<vmem_shared>>
      tpu.enqueue_indirect_dma source(%dma_start3A_800 : memref<128xf32, #tpu.memory_space<vmem>>) target(%dma_start3A_805 : memref<16384xf32, #tpu.memory_space<vmem_shared>>) offsets(%dma_start3A_803 : memref<128xi32, #tpu.memory_space<vmem>>) semaphore(%run_scoped3A_798 : memref<!tpu.dma_semaphore, #tpu.memory_space<semaphore_mem>>) {add = true}
      %dma_wait3A_806 = arith.constant 0 : i32
      %dma_wait3A_807 = tpu.memref_slice %arg7[%dma_wait3A_806] : memref<512xf32, #tpu.memory_space<vmem>> -> memref<128xf32, #tpu.memory_space<vmem>>
      %dma_wait3A_808 = arith.constant 0 : i32
      %dma_wait3A_809 = tpu.memref_slice %arg8[%run_scoped3A, %dma_wait3A_808] : memref<4x128xi32, #tpu.memory_space<vmem>> -> memref<1x128xi32, #tpu.memory_space<vmem>>
      %dma_wait3A_810 = tpu.memref_squeeze %dma_wait3A_809 : memref<1x128xi32, #tpu.memory_space<vmem>> -> memref<128xi32, #tpu.memory_space<vmem>>
      %dma_wait3A_811 = arith.constant 0 : i32
      %dma_wait3A_812 = tpu.memref_slice %arg10[%dma_wait3A_811] : memref<16384xf32, #tpu.memory_space<vmem_shared>> -> memref<16384xf32, #tpu.memory_space<vmem_shared>>
      tpu.wait_indirect_dma semaphore(%run_scoped3A_798 : memref<!tpu.dma_semaphore, #tpu.memory_space<semaphore_mem>>) src(%dma_wait3A_807 : memref<128xf32, #tpu.memory_space<vmem>>) dst(%dma_wait3A_812 : memref<16384xf32, #tpu.memory_space<vmem_shared>>)
      tpu.yield
    }) : () -> ()
    %get3A_553 = arith.constant 128 : index
    %get3A_554 = tpu.vector_load %arg6[%get3A_553] {strides = array<i32>} : memref<512xi32, #tpu.memory_space<vmem>>, vector<16xi32>,
    %get3A_555 = vector.shape_cast %get3A_554 : vector<16xi32> to vector<16xi32>
    %mul3A_556 = arith.constant 128 : i32
    %mul3A_557 = vector.broadcast %mul3A_556 : i32 to vector<16xi32>
    %mul3A_558 = arith.muli %get3A_555, %mul3A_557 : vector<16xi32>
    %get3A_559 = arith.constant 128 : index
    %get3A_560 = tpu.vector_load %arg5[%get3A_559] {strides = array<i32>} : memref<512xi32, #tpu.memory_space<vmem>>, vector<16xi32>,
    %get3A_561 = vector.shape_cast %get3A_560 : vector<16xi32> to vector<16xi32>
    %add3A_562 = arith.addi %mul3A_558, %get3A_561 : vector<16xi32>
    %swap3A_563 = arith.constant 1 : i32
    %swap3A_564 = arith.index_cast %swap3A_563 : i32 to index
    %swap3A_565 = arith.constant 0 : index
    %swap3A_566 = tpu.vector_load %arg8[%swap3A_564, %swap3A_565] {strides = array<i32>} : memref<4x128xi32, #tpu.memory_space<vmem>>, vector<1x16xi32>,
    %swap3A_567 = vector.shape_cast %swap3A_566 : vector<1x16xi32> to vector<16xi32>
    %swap3A_568 = vector.shape_cast %add3A_562 : vector<16xi32> to vector<1x16xi32>
    tpu.vector_store %arg8[%swap3A_564, %swap3A_565], %swap3A_568 {strides = array<i32>} : memref<4x128xi32, #tpu.memory_space<vmem>>, vector<1x16xi32>,
    %get3A_569 = arith.constant 144 : index
    %get3A_570 = tpu.vector_load %arg6[%get3A_569] {strides = array<i32>} : memref<512xi32, #tpu.memory_space<vmem>>, vector<16xi32>,
    %get3A_571 = vector.shape_cast %get3A_570 : vector<16xi32> to vector<16xi32>
    %mul3A_572 = arith.constant 128 : i32
    %mul3A_573 = vector.broadcast %mul3A_572 : i32 to vector<16xi32>
    %mul3A_574 = arith.muli %get3A_571, %mul3A_573 : vector<16xi32>
    %get3A_575 = arith.constant 144 : index
    %get3A_576 = tpu.vector_load %arg5[%get3A_575] {strides = array<i32>} : memref<512xi32, #tpu.memory_space<vmem>>, vector<16xi32>,
    %get3A_577 = vector.shape_cast %get3A_576 : vector<16xi32> to vector<16xi32>
    %add3A_578 = arith.addi %mul3A_574, %get3A_577 : vector<16xi32>
    %swap3A_579 = arith.constant 1 : i32
    %swap3A_580 = arith.index_cast %swap3A_579 : i32 to index
    %swap3A_581 = arith.constant 16 : index
    %swap3A_582 = tpu.vector_load %arg8[%swap3A_580, %swap3A_581] {strides = array<i32>} : memref<4x128xi32, #tpu.memory_space<vmem>>, vector<1x16xi32>,
    %swap3A_583 = vector.shape_cast %swap3A_582 : vector<1x16xi32> to vector<16xi32>
    %swap3A_584 = vector.shape_cast %add3A_578 : vector<16xi32> to vector<1x16xi32>
    tpu.vector_store %arg8[%swap3A_580, %swap3A_581], %swap3A_584 {strides = array<i32>} : memref<4x128xi32, #tpu.memory_space<vmem>>, vector<1x16xi32>,
    %get3A_585 = arith.constant 160 : index
    %get3A_586 = tpu.vector_load %arg6[%get3A_585] {strides = array<i32>} : memref<512xi32, #tpu.memory_space<vmem>>, vector<16xi32>,
    %get3A_587 = vector.shape_cast %get3A_586 : vector<16xi32> to vector<16xi32>
    %mul3A_588 = arith.constant 128 : i32
    %mul3A_589 = vector.broadcast %mul3A_588 : i32 to vector<16xi32>
    %mul3A_590 = arith.muli %get3A_587, %mul3A_589 : vector<16xi32>
    %get3A_591 = arith.constant 160 : index
    %get3A_592 = tpu.vector_load %arg5[%get3A_591] {strides = array<i32>} : memref<512xi32, #tpu.memory_space<vmem>>, vector<16xi32>,
    %get3A_593 = vector.shape_cast %get3A_592 : vector<16xi32> to vector<16xi32>
    %add3A_594 = arith.addi %mul3A_590, %get3A_593 : vector<16xi32>
    %swap3A_595 = arith.constant 1 : i32
    %swap3A_596 = arith.index_cast %swap3A_595 : i32 to index
    %swap3A_597 = arith.constant 32 : index
    %swap3A_598 = tpu.vector_load %arg8[%swap3A_596, %swap3A_597] {strides = array<i32>} : memref<4x128xi32, #tpu.memory_space<vmem>>, vector<1x16xi32>,
    %swap3A_599 = vector.shape_cast %swap3A_598 : vector<1x16xi32> to vector<16xi32>
    %swap3A_600 = vector.shape_cast %add3A_594 : vector<16xi32> to vector<1x16xi32>
    tpu.vector_store %arg8[%swap3A_596, %swap3A_597], %swap3A_600 {strides = array<i32>} : memref<4x128xi32, #tpu.memory_space<vmem>>, vector<1x16xi32>,
    %get3A_601 = arith.constant 176 : index
    %get3A_602 = tpu.vector_load %arg6[%get3A_601] {strides = array<i32>} : memref<512xi32, #tpu.memory_space<vmem>>, vector<16xi32>,
    %get3A_603 = vector.shape_cast %get3A_602 : vector<16xi32> to vector<16xi32>
    %mul3A_604 = arith.constant 128 : i32
    %mul3A_605 = vector.broadcast %mul3A_604 : i32 to vector<16xi32>
    %mul3A_606 = arith.muli %get3A_603, %mul3A_605 : vector<16xi32>
    %get3A_607 = arith.constant 176 : index
    %get3A_608 = tpu.vector_load %arg5[%get3A_607] {strides = array<i32>} : memref<512xi32, #tpu.memory_space<vmem>>, vector<16xi32>,
    %get3A_609 = vector.shape_cast %get3A_608 : vector<16xi32> to vector<16xi32>
    %add3A_610 = arith.addi %mul3A_606, %get3A_609 : vector<16xi32>
    %swap3A_611 = arith.constant 1 : i32
    %swap3A_612 = arith.index_cast %swap3A_611 : i32 to index
    %swap3A_613 = arith.constant 48 : index
    %swap3A_614 = tpu.vector_load %arg8[%swap3A_612, %swap3A_613] {strides = array<i32>} : memref<4x128xi32, #tpu.memory_space<vmem>>, vector<1x16xi32>,
    %swap3A_615 = vector.shape_cast %swap3A_614 : vector<1x16xi32> to vector<16xi32>
    %swap3A_616 = vector.shape_cast %add3A_610 : vector<16xi32> to vector<1x16xi32>
    tpu.vector_store %arg8[%swap3A_612, %swap3A_613], %swap3A_616 {strides = array<i32>} : memref<4x128xi32, #tpu.memory_space<vmem>>, vector<1x16xi32>,
    %get3A_617 = arith.constant 192 : index
    %get3A_618 = tpu.vector_load %arg6[%get3A_617] {strides = array<i32>} : memref<512xi32, #tpu.memory_space<vmem>>, vector<16xi32>,
    %get3A_619 = vector.shape_cast %get3A_618 : vector<16xi32> to vector<16xi32>
    %mul3A_620 = arith.constant 128 : i32
    %mul3A_621 = vector.broadcast %mul3A_620 : i32 to vector<16xi32>
    %mul3A_622 = arith.muli %get3A_619, %mul3A_621 : vector<16xi32>
    %get3A_623 = arith.constant 192 : index
    %get3A_624 = tpu.vector_load %arg5[%get3A_623] {strides = array<i32>} : memref<512xi32, #tpu.memory_space<vmem>>, vector<16xi32>,
    %get3A_625 = vector.shape_cast %get3A_624 : vector<16xi32> to vector<16xi32>
    %add3A_626 = arith.addi %mul3A_622, %get3A_625 : vector<16xi32>
    %swap3A_627 = arith.constant 1 : i32
    %swap3A_628 = arith.index_cast %swap3A_627 : i32 to index
    %swap3A_629 = arith.constant 64 : index
    %swap3A_630 = tpu.vector_load %arg8[%swap3A_628, %swap3A_629] {strides = array<i32>} : memref<4x128xi32, #tpu.memory_space<vmem>>, vector<1x16xi32>,
    %swap3A_631 = vector.shape_cast %swap3A_630 : vector<1x16xi32> to vector<16xi32>
    %swap3A_632 = vector.shape_cast %add3A_626 : vector<16xi32> to vector<1x16xi32>
    tpu.vector_store %arg8[%swap3A_628, %swap3A_629], %swap3A_632 {strides = array<i32>} : memref<4x128xi32, #tpu.memory_space<vmem>>, vector<1x16xi32>,
    %get3A_633 = arith.constant 208 : index
    %get3A_634 = tpu.vector_load %arg6[%get3A_633] {strides = array<i32>} : memref<512xi32, #tpu.memory_space<vmem>>, vector<16xi32>,
    %get3A_635 = vector.shape_cast %get3A_634 : vector<16xi32> to vector<16xi32>
    %mul3A_636 = arith.constant 128 : i32
    %mul3A_637 = vector.broadcast %mul3A_636 : i32 to vector<16xi32>
    %mul3A_638 = arith.muli %get3A_635, %mul3A_637 : vector<16xi32>
    %get3A_639 = arith.constant 208 : index
    %get3A_640 = tpu.vector_load %arg5[%get3A_639] {strides = array<i32>} : memref<512xi32, #tpu.memory_space<vmem>>, vector<16xi32>,
    %get3A_641 = vector.shape_cast %get3A_640 : vector<16xi32> to vector<16xi32>
    %add3A_642 = arith.addi %mul3A_638, %get3A_641 : vector<16xi32>
    %swap3A_643 = arith.constant 1 : i32
    %swap3A_644 = arith.index_cast %swap3A_643 : i32 to index
    %swap3A_645 = arith.constant 80 : index
    %swap3A_646 = tpu.vector_load %arg8[%swap3A_644, %swap3A_645] {strides = array<i32>} : memref<4x128xi32, #tpu.memory_space<vmem>>, vector<1x16xi32>,
    %swap3A_647 = vector.shape_cast %swap3A_646 : vector<1x16xi32> to vector<16xi32>
    %swap3A_648 = vector.shape_cast %add3A_642 : vector<16xi32> to vector<1x16xi32>
    tpu.vector_store %arg8[%swap3A_644, %swap3A_645], %swap3A_648 {strides = array<i32>} : memref<4x128xi32, #tpu.memory_space<vmem>>, vector<1x16xi32>,
    %get3A_649 = arith.constant 224 : index
    %get3A_650 = tpu.vector_load %arg6[%get3A_649] {strides = array<i32>} : memref<512xi32, #tpu.memory_space<vmem>>, vector<16xi32>,
    %get3A_651 = vector.shape_cast %get3A_650 : vector<16xi32> to vector<16xi32>
    %mul3A_652 = arith.constant 128 : i32
    %mul3A_653 = vector.broadcast %mul3A_652 : i32 to vector<16xi32>
    %mul3A_654 = arith.muli %get3A_651, %mul3A_653 : vector<16xi32>
    %get3A_655 = arith.constant 224 : index
    %get3A_656 = tpu.vector_load %arg5[%get3A_655] {strides = array<i32>} : memref<512xi32, #tpu.memory_space<vmem>>, vector<16xi32>,
    %get3A_657 = vector.shape_cast %get3A_656 : vector<16xi32> to vector<16xi32>
    %add3A_658 = arith.addi %mul3A_654, %get3A_657 : vector<16xi32>
    %swap3A_659 = arith.constant 1 : i32
    %swap3A_660 = arith.index_cast %swap3A_659 : i32 to index
    %swap3A_661 = arith.constant 96 : index
    %swap3A_662 = tpu.vector_load %arg8[%swap3A_660, %swap3A_661] {strides = array<i32>} : memref<4x128xi32, #tpu.memory_space<vmem>>, vector<1x16xi32>,
    %swap3A_663 = vector.shape_cast %swap3A_662 : vector<1x16xi32> to vector<16xi32>
    %swap3A_664 = vector.shape_cast %add3A_658 : vector<16xi32> to vector<1x16xi32>
    tpu.vector_store %arg8[%swap3A_660, %swap3A_661], %swap3A_664 {strides = array<i32>} : memref<4x128xi32, #tpu.memory_space<vmem>>, vector<1x16xi32>,
    %get3A_665 = arith.constant 240 : index
    %get3A_666 = tpu.vector_load %arg6[%get3A_665] {strides = array<i32>} : memref<512xi32, #tpu.memory_space<vmem>>, vector<16xi32>,
    %get3A_667 = vector.shape_cast %get3A_666 : vector<16xi32> to vector<16xi32>
    %mul3A_668 = arith.constant 128 : i32
    %mul3A_669 = vector.broadcast %mul3A_668 : i32 to vector<16xi32>
    %mul3A_670 = arith.muli %get3A_667, %mul3A_669 : vector<16xi32>
    %get3A_671 = arith.constant 240 : index
    %get3A_672 = tpu.vector_load %arg5[%get3A_671] {strides = array<i32>} : memref<512xi32, #tpu.memory_space<vmem>>, vector<16xi32>,
    %get3A_673 = vector.shape_cast %get3A_672 : vector<16xi32> to vector<16xi32>
    %add3A_674 = arith.addi %mul3A_670, %get3A_673 : vector<16xi32>
    %swap3A_675 = arith.constant 1 : i32
    %swap3A_676 = arith.index_cast %swap3A_675 : i32 to index
    %swap3A_677 = arith.constant 112 : index
    %swap3A_678 = tpu.vector_load %arg8[%swap3A_676, %swap3A_677] {strides = array<i32>} : memref<4x128xi32, #tpu.memory_space<vmem>>, vector<1x16xi32>,
    %swap3A_679 = vector.shape_cast %swap3A_678 : vector<1x16xi32> to vector<16xi32>
    %swap3A_680 = vector.shape_cast %add3A_674 : vector<16xi32> to vector<1x16xi32>
    tpu.vector_store %arg8[%swap3A_676, %swap3A_677], %swap3A_680 {strides = array<i32>} : memref<4x128xi32, #tpu.memory_space<vmem>>, vector<1x16xi32>,
    %run_scoped3A_681 = arith.constant 1 : i32
    "tpu.region"() ({
      %run_scoped3A_798 = tpu.sem_alloc : memref<!tpu.dma_semaphore, #tpu.memory_space<semaphore_mem>>
      %dma_start3A_799 = arith.constant 128 : i32
      %dma_start3A_800 = tpu.memref_slice %arg7[%dma_start3A_799] : memref<512xf32, #tpu.memory_space<vmem>> -> memref<128xf32, #tpu.memory_space<vmem>>
      %dma_start3A_801 = arith.constant 0 : i32
      %dma_start3A_802 = tpu.memref_slice %arg8[%run_scoped3A_681, %dma_start3A_801] : memref<4x128xi32, #tpu.memory_space<vmem>> -> memref<1x128xi32, #tpu.memory_space<vmem>>
      %dma_start3A_803 = tpu.memref_squeeze %dma_start3A_802 : memref<1x128xi32, #tpu.memory_space<vmem>> -> memref<128xi32, #tpu.memory_space<vmem>>
      %dma_start3A_804 = arith.constant 0 : i32
      %dma_start3A_805 = tpu.memref_slice %arg10[%dma_start3A_804] : memref<16384xf32, #tpu.memory_space<vmem_shared>> -> memref<16384xf32, #tpu.memory_space<vmem_shared>>
      tpu.enqueue_indirect_dma source(%dma_start3A_800 : memref<128xf32, #tpu.memory_space<vmem>>) target(%dma_start3A_805 : memref<16384xf32, #tpu.memory_space<vmem_shared>>) offsets(%dma_start3A_803 : memref<128xi32, #tpu.memory_space<vmem>>) semaphore(%run_scoped3A_798 : memref<!tpu.dma_semaphore, #tpu.memory_space<semaphore_mem>>) {add = true}
      %dma_wait3A_806 = arith.constant 128 : i32
      %dma_wait3A_807 = tpu.memref_slice %arg7[%dma_wait3A_806] : memref<512xf32, #tpu.memory_space<vmem>> -> memref<128xf32, #tpu.memory_space<vmem>>
      %dma_wait3A_808 = arith.constant 0 : i32
      %dma_wait3A_809 = tpu.memref_slice %arg8[%run_scoped3A_681, %dma_wait3A_808] : memref<4x128xi32, #tpu.memory_space<vmem>> -> memref<1x128xi32, #tpu.memory_space<vmem>>
      %dma_wait3A_810 = tpu.memref_squeeze %dma_wait3A_809 : memref<1x128xi32, #tpu.memory_space<vmem>> -> memref<128xi32, #tpu.memory_space<vmem>>
      %dma_wait3A_811 = arith.constant 0 : i32
      %dma_wait3A_812 = tpu.memref_slice %arg10[%dma_wait3A_811] : memref<16384xf32, #tpu.memory_space<vmem_shared>> -> memref<16384xf32, #tpu.memory_space<vmem_shared>>
      tpu.wait_indirect_dma semaphore(%run_scoped3A_798 : memref<!tpu.dma_semaphore, #tpu.memory_space<semaphore_mem>>) src(%dma_wait3A_807 : memref<128xf32, #tpu.memory_space<vmem>>) dst(%dma_wait3A_812 : memref<16384xf32, #tpu.memory_space<vmem_shared>>)
      tpu.yield
    }) : () -> ()
    %convert_element_type3A_682 = arith.extui %lt3A_383 : i1 to i32
    %cond3A_683 = arith.constant 0 : i32
    %cond3A_684 = arith.cmpi ne, %convert_element_type3A_682, %cond3A_683 : i32
    scf.if %cond3A_684 {
      %mul3A_798 = arith.constant 2 : i32
      %mul3A_799 = arith.muli %mul3A_798, %arg1 : i32
      %add3A_800 = arith.constant 32 : i32
      %add3A_801 = arith.addi %add3A_800, %mul3A_799 : i32
      %mul3A_802 = arith.constant 128 : i32
      %mul3A_803 = arith.muli %add3A_801, %mul3A_802 : i32
      %mul3A_804 = arith.constant 2 : i32
      %mul3A_805 = arith.muli %mul3A_804, %arg1 : i32
      %add3A_806 = arith.constant 32 : i32
      %add3A_807 = arith.addi %add3A_806, %mul3A_805 : i32
      %mul3A_808 = arith.constant 128 : i32
      %mul3A_809 = arith.muli %add3A_807, %mul3A_808 : i32
      %add3A_810 = arith.constant 6400 : i32
      %add3A_811 = arith.addi %add3A_810, %mul3A_809 : i32
      %dma_wait3A_812 = arith.constant 256 : i32
      %dma_wait3A_813 = tpu.memref_slice %arg5[%dma_wait3A_812] : memref<512xi32, #tpu.memory_space<vmem>> -> memref<256xi32, #tpu.memory_space<vmem>>
      %dma_wait3A_814 = tpu.memref_slice %arg2[%mul3A_803] : memref<12800xi32, #tpu.memory_space<hbm>> -> memref<256xi32, #tpu.memory_space<hbm>>
      %dma_wait3A_815 = arith.constant 256 : i32
      %dma_wait3A_816 = tpu.memref_slice %arg5[%dma_wait3A_815] : memref<512xi32, #tpu.memory_space<vmem>> -> memref<256xi32, #tpu.memory_space<vmem>>
      %dma_wait3A_817 = tpu.memref_slice %arg2[%mul3A_803] : memref<12800xi32, #tpu.memory_space<hbm>> -> memref<256xi32, #tpu.memory_space<hbm>>
      tpu.wait_dma2 semaphore(%arg11 : memref<!tpu.dma_semaphore, #tpu.memory_space<semaphore_mem>>) src(%dma_wait3A_817 : memref<256xi32, #tpu.memory_space<hbm>>) dst(%dma_wait3A_816 : memref<256xi32, #tpu.memory_space<vmem>>)
      %dma_wait3A_818 = arith.constant 256 : i32
      %dma_wait3A_819 = tpu.memref_slice %arg6[%dma_wait3A_818] : memref<512xi32, #tpu.memory_space<vmem>> -> memref<256xi32, #tpu.memory_space<vmem>>
      %dma_wait3A_820 = tpu.memref_slice %arg2[%add3A_811] : memref<12800xi32, #tpu.memory_space<hbm>> -> memref<256xi32, #tpu.memory_space<hbm>>
      %dma_wait3A_821 = arith.constant 256 : i32
      %dma_wait3A_822 = tpu.memref_slice %arg6[%dma_wait3A_821] : memref<512xi32, #tpu.memory_space<vmem>> -> memref<256xi32, #tpu.memory_space<vmem>>
      %dma_wait3A_823 = tpu.memref_slice %arg2[%add3A_811] : memref<12800xi32, #tpu.memory_space<hbm>> -> memref<256xi32, #tpu.memory_space<hbm>>
      tpu.wait_dma2 semaphore(%arg11 : memref<!tpu.dma_semaphore, #tpu.memory_space<semaphore_mem>>) src(%dma_wait3A_823 : memref<256xi32, #tpu.memory_space<hbm>>) dst(%dma_wait3A_822 : memref<256xi32, #tpu.memory_space<vmem>>)
      %dma_wait3A_824 = arith.constant 256 : i32
      %dma_wait3A_825 = tpu.memref_slice %arg7[%dma_wait3A_824] : memref<512xf32, #tpu.memory_space<vmem>> -> memref<256xf32, #tpu.memory_space<vmem>>
      %dma_wait3A_826 = tpu.memref_slice %arg3[%mul3A_803] : memref<6400xf32, #tpu.memory_space<hbm>> -> memref<256xf32, #tpu.memory_space<hbm>>
      %dma_wait3A_827 = arith.constant 256 : i32
      %dma_wait3A_828 = tpu.memref_slice %arg7[%dma_wait3A_827] : memref<512xf32, #tpu.memory_space<vmem>> -> memref<256xf32, #tpu.memory_space<vmem>>
      %dma_wait3A_829 = tpu.memref_slice %arg3[%mul3A_803] : memref<6400xf32, #tpu.memory_space<hbm>> -> memref<256xf32, #tpu.memory_space<hbm>>
      tpu.wait_dma2 semaphore(%arg11 : memref<!tpu.dma_semaphore, #tpu.memory_space<semaphore_mem>>) src(%dma_wait3A_829 : memref<256xf32, #tpu.memory_space<hbm>>) dst(%dma_wait3A_828 : memref<256xf32, #tpu.memory_space<vmem>>)
      %get3A_830 = arith.constant 256 : index
      %get3A_831 = tpu.vector_load %arg6[%get3A_830] {strides = array<i32>} : memref<512xi32, #tpu.memory_space<vmem>>, vector<16xi32>,
      %get3A_832 = vector.shape_cast %get3A_831 : vector<16xi32> to vector<16xi32>
      %mul3A_833 = arith.constant 128 : i32
      %mul3A_834 = vector.broadcast %mul3A_833 : i32 to vector<16xi32>
      %mul3A_835 = arith.muli %get3A_832, %mul3A_834 : vector<16xi32>
      %get3A_836 = arith.constant 256 : index
      %get3A_837 = tpu.vector_load %arg5[%get3A_836] {strides = array<i32>} : memref<512xi32, #tpu.memory_space<vmem>>, vector<16xi32>,
      %get3A_838 = vector.shape_cast %get3A_837 : vector<16xi32> to vector<16xi32>
      %add3A_839 = arith.addi %mul3A_835, %get3A_838 : vector<16xi32>
      %swap3A_840 = arith.constant 2 : i32
      %swap3A_841 = arith.index_cast %swap3A_840 : i32 to index
      %swap3A_842 = arith.constant 0 : index
      %swap3A_843 = tpu.vector_load %arg8[%swap3A_841, %swap3A_842] {strides = array<i32>} : memref<4x128xi32, #tpu.memory_space<vmem>>, vector<1x16xi32>,
      %swap3A_844 = vector.shape_cast %swap3A_843 : vector<1x16xi32> to vector<16xi32>
      %swap3A_845 = vector.shape_cast %add3A_839 : vector<16xi32> to vector<1x16xi32>
      tpu.vector_store %arg8[%swap3A_841, %swap3A_842], %swap3A_845 {strides = array<i32>} : memref<4x128xi32, #tpu.memory_space<vmem>>, vector<1x16xi32>,
      %get3A_846 = arith.constant 272 : index
      %get3A_847 = tpu.vector_load %arg6[%get3A_846] {strides = array<i32>} : memref<512xi32, #tpu.memory_space<vmem>>, vector<16xi32>,
      %get3A_848 = vector.shape_cast %get3A_847 : vector<16xi32> to vector<16xi32>
      %mul3A_849 = arith.constant 128 : i32
      %mul3A_850 = vector.broadcast %mul3A_849 : i32 to vector<16xi32>
      %mul3A_851 = arith.muli %get3A_848, %mul3A_850 : vector<16xi32>
      %get3A_852 = arith.constant 272 : index
      %get3A_853 = tpu.vector_load %arg5[%get3A_852] {strides = array<i32>} : memref<512xi32, #tpu.memory_space<vmem>>, vector<16xi32>,
      %get3A_854 = vector.shape_cast %get3A_853 : vector<16xi32> to vector<16xi32>
      %add3A_855 = arith.addi %mul3A_851, %get3A_854 : vector<16xi32>
      %swap3A_856 = arith.constant 2 : i32
      %swap3A_857 = arith.index_cast %swap3A_856 : i32 to index
      %swap3A_858 = arith.constant 16 : index
      %swap3A_859 = tpu.vector_load %arg8[%swap3A_857, %swap3A_858] {strides = array<i32>} : memref<4x128xi32, #tpu.memory_space<vmem>>, vector<1x16xi32>,
      %swap3A_860 = vector.shape_cast %swap3A_859 : vector<1x16xi32> to vector<16xi32>
      %swap3A_861 = vector.shape_cast %add3A_855 : vector<16xi32> to vector<1x16xi32>
      tpu.vector_store %arg8[%swap3A_857, %swap3A_858], %swap3A_861 {strides = array<i32>} : memref<4x128xi32, #tpu.memory_space<vmem>>, vector<1x16xi32>,
      %get3A_862 = arith.constant 288 : index
      %get3A_863 = tpu.vector_load %arg6[%get3A_862] {strides = array<i32>} : memref<512xi32, #tpu.memory_space<vmem>>, vector<16xi32>,
      %get3A_864 = vector.shape_cast %get3A_863 : vector<16xi32> to vector<16xi32>
      %mul3A_865 = arith.constant 128 : i32
      %mul3A_866 = vector.broadcast %mul3A_865 : i32 to vector<16xi32>
      %mul3A_867 = arith.muli %get3A_864, %mul3A_866 : vector<16xi32>
      %get3A_868 = arith.constant 288 : index
      %get3A_869 = tpu.vector_load %arg5[%get3A_868] {strides = array<i32>} : memref<512xi32, #tpu.memory_space<vmem>>, vector<16xi32>,
      %get3A_870 = vector.shape_cast %get3A_869 : vector<16xi32> to vector<16xi32>
      %add3A_871 = arith.addi %mul3A_867, %get3A_870 : vector<16xi32>
      %swap3A_872 = arith.constant 2 : i32
      %swap3A_873 = arith.index_cast %swap3A_872 : i32 to index
      %swap3A_874 = arith.constant 32 : index
      %swap3A_875 = tpu.vector_load %arg8[%swap3A_873, %swap3A_874] {strides = array<i32>} : memref<4x128xi32, #tpu.memory_space<vmem>>, vector<1x16xi32>,
      %swap3A_876 = vector.shape_cast %swap3A_875 : vector<1x16xi32> to vector<16xi32>
      %swap3A_877 = vector.shape_cast %add3A_871 : vector<16xi32> to vector<1x16xi32>
      tpu.vector_store %arg8[%swap3A_873, %swap3A_874], %swap3A_877 {strides = array<i32>} : memref<4x128xi32, #tpu.memory_space<vmem>>, vector<1x16xi32>,
      %get3A_878 = arith.constant 304 : index
      %get3A_879 = tpu.vector_load %arg6[%get3A_878] {strides = array<i32>} : memref<512xi32, #tpu.memory_space<vmem>>, vector<16xi32>,
      %get3A_880 = vector.shape_cast %get3A_879 : vector<16xi32> to vector<16xi32>
      %mul3A_881 = arith.constant 128 : i32
      %mul3A_882 = vector.broadcast %mul3A_881 : i32 to vector<16xi32>
      %mul3A_883 = arith.muli %get3A_880, %mul3A_882 : vector<16xi32>
      %get3A_884 = arith.constant 304 : index
      %get3A_885 = tpu.vector_load %arg5[%get3A_884] {strides = array<i32>} : memref<512xi32, #tpu.memory_space<vmem>>, vector<16xi32>,
      %get3A_886 = vector.shape_cast %get3A_885 : vector<16xi32> to vector<16xi32>
      %add3A_887 = arith.addi %mul3A_883, %get3A_886 : vector<16xi32>
      %swap3A_888 = arith.constant 2 : i32
      %swap3A_889 = arith.index_cast %swap3A_888 : i32 to index
      %swap3A_890 = arith.constant 48 : index
      %swap3A_891 = tpu.vector_load %arg8[%swap3A_889, %swap3A_890] {strides = array<i32>} : memref<4x128xi32, #tpu.memory_space<vmem>>, vector<1x16xi32>,
      %swap3A_892 = vector.shape_cast %swap3A_891 : vector<1x16xi32> to vector<16xi32>
      %swap3A_893 = vector.shape_cast %add3A_887 : vector<16xi32> to vector<1x16xi32>
      tpu.vector_store %arg8[%swap3A_889, %swap3A_890], %swap3A_893 {strides = array<i32>} : memref<4x128xi32, #tpu.memory_space<vmem>>, vector<1x16xi32>,
      %get3A_894 = arith.constant 320 : index
      %get3A_895 = tpu.vector_load %arg6[%get3A_894] {strides = array<i32>} : memref<512xi32, #tpu.memory_space<vmem>>, vector<16xi32>,
      %get3A_896 = vector.shape_cast %get3A_895 : vector<16xi32> to vector<16xi32>
      %mul3A_897 = arith.constant 128 : i32
      %mul3A_898 = vector.broadcast %mul3A_897 : i32 to vector<16xi32>
      %mul3A_899 = arith.muli %get3A_896, %mul3A_898 : vector<16xi32>
      %get3A_900 = arith.constant 320 : index
      %get3A_901 = tpu.vector_load %arg5[%get3A_900] {strides = array<i32>} : memref<512xi32, #tpu.memory_space<vmem>>, vector<16xi32>,
      %get3A_902 = vector.shape_cast %get3A_901 : vector<16xi32> to vector<16xi32>
      %add3A_903 = arith.addi %mul3A_899, %get3A_902 : vector<16xi32>
      %swap3A_904 = arith.constant 2 : i32
      %swap3A_905 = arith.index_cast %swap3A_904 : i32 to index
      %swap3A_906 = arith.constant 64 : index
      %swap3A_907 = tpu.vector_load %arg8[%swap3A_905, %swap3A_906] {strides = array<i32>} : memref<4x128xi32, #tpu.memory_space<vmem>>, vector<1x16xi32>,
      %swap3A_908 = vector.shape_cast %swap3A_907 : vector<1x16xi32> to vector<16xi32>
      %swap3A_909 = vector.shape_cast %add3A_903 : vector<16xi32> to vector<1x16xi32>
      tpu.vector_store %arg8[%swap3A_905, %swap3A_906], %swap3A_909 {strides = array<i32>} : memref<4x128xi32, #tpu.memory_space<vmem>>, vector<1x16xi32>,
      %get3A_910 = arith.constant 336 : index
      %get3A_911 = tpu.vector_load %arg6[%get3A_910] {strides = array<i32>} : memref<512xi32, #tpu.memory_space<vmem>>, vector<16xi32>,
      %get3A_912 = vector.shape_cast %get3A_911 : vector<16xi32> to vector<16xi32>
      %mul3A_913 = arith.constant 128 : i32
      %mul3A_914 = vector.broadcast %mul3A_913 : i32 to vector<16xi32>
      %mul3A_915 = arith.muli %get3A_912, %mul3A_914 : vector<16xi32>
      %get3A_916 = arith.constant 336 : index
      %get3A_917 = tpu.vector_load %arg5[%get3A_916] {strides = array<i32>} : memref<512xi32, #tpu.memory_space<vmem>>, vector<16xi32>,
      %get3A_918 = vector.shape_cast %get3A_917 : vector<16xi32> to vector<16xi32>
      %add3A_919 = arith.addi %mul3A_915, %get3A_918 : vector<16xi32>
      %swap3A_920 = arith.constant 2 : i32
      %swap3A_921 = arith.index_cast %swap3A_920 : i32 to index
      %swap3A_922 = arith.constant 80 : index
      %swap3A_923 = tpu.vector_load %arg8[%swap3A_921, %swap3A_922] {strides = array<i32>} : memref<4x128xi32, #tpu.memory_space<vmem>>, vector<1x16xi32>,
      %swap3A_924 = vector.shape_cast %swap3A_923 : vector<1x16xi32> to vector<16xi32>
      %swap3A_925 = vector.shape_cast %add3A_919 : vector<16xi32> to vector<1x16xi32>
      tpu.vector_store %arg8[%swap3A_921, %swap3A_922], %swap3A_925 {strides = array<i32>} : memref<4x128xi32, #tpu.memory_space<vmem>>, vector<1x16xi32>,
      %get3A_926 = arith.constant 352 : index
      %get3A_927 = tpu.vector_load %arg6[%get3A_926] {strides = array<i32>} : memref<512xi32, #tpu.memory_space<vmem>>, vector<16xi32>,
      %get3A_928 = vector.shape_cast %get3A_927 : vector<16xi32> to vector<16xi32>
      %mul3A_929 = arith.constant 128 : i32
      %mul3A_930 = vector.broadcast %mul3A_929 : i32 to vector<16xi32>
      %mul3A_931 = arith.muli %get3A_928, %mul3A_930 : vector<16xi32>
      %get3A_932 = arith.constant 352 : index
      %get3A_933 = tpu.vector_load %arg5[%get3A_932] {strides = array<i32>} : memref<512xi32, #tpu.memory_space<vmem>>, vector<16xi32>,
      %get3A_934 = vector.shape_cast %get3A_933 : vector<16xi32> to vector<16xi32>
      %add3A_935 = arith.addi %mul3A_931, %get3A_934 : vector<16xi32>
      %swap3A_936 = arith.constant 2 : i32
      %swap3A_937 = arith.index_cast %swap3A_936 : i32 to index
      %swap3A_938 = arith.constant 96 : index
      %swap3A_939 = tpu.vector_load %arg8[%swap3A_937, %swap3A_938] {strides = array<i32>} : memref<4x128xi32, #tpu.memory_space<vmem>>, vector<1x16xi32>,
      %swap3A_940 = vector.shape_cast %swap3A_939 : vector<1x16xi32> to vector<16xi32>
      %swap3A_941 = vector.shape_cast %add3A_935 : vector<16xi32> to vector<1x16xi32>
      tpu.vector_store %arg8[%swap3A_937, %swap3A_938], %swap3A_941 {strides = array<i32>} : memref<4x128xi32, #tpu.memory_space<vmem>>, vector<1x16xi32>,
      %get3A_942 = arith.constant 368 : index
      %get3A_943 = tpu.vector_load %arg6[%get3A_942] {strides = array<i32>} : memref<512xi32, #tpu.memory_space<vmem>>, vector<16xi32>,
      %get3A_944 = vector.shape_cast %get3A_943 : vector<16xi32> to vector<16xi32>
      %mul3A_945 = arith.constant 128 : i32
      %mul3A_946 = vector.broadcast %mul3A_945 : i32 to vector<16xi32>
      %mul3A_947 = arith.muli %get3A_944, %mul3A_946 : vector<16xi32>
      %get3A_948 = arith.constant 368 : index
      %get3A_949 = tpu.vector_load %arg5[%get3A_948] {strides = array<i32>} : memref<512xi32, #tpu.memory_space<vmem>>, vector<16xi32>,
      %get3A_950 = vector.shape_cast %get3A_949 : vector<16xi32> to vector<16xi32>
      %add3A_951 = arith.addi %mul3A_947, %get3A_950 : vector<16xi32>
      %swap3A_952 = arith.constant 2 : i32
      %swap3A_953 = arith.index_cast %swap3A_952 : i32 to index
      %swap3A_954 = arith.constant 112 : index
      %swap3A_955 = tpu.vector_load %arg8[%swap3A_953, %swap3A_954] {strides = array<i32>} : memref<4x128xi32, #tpu.memory_space<vmem>>, vector<1x16xi32>,
      %swap3A_956 = vector.shape_cast %swap3A_955 : vector<1x16xi32> to vector<16xi32>
      %swap3A_957 = vector.shape_cast %add3A_951 : vector<16xi32> to vector<1x16xi32>
      tpu.vector_store %arg8[%swap3A_953, %swap3A_954], %swap3A_957 {strides = array<i32>} : memref<4x128xi32, #tpu.memory_space<vmem>>, vector<1x16xi32>,
      %run_scoped3A_958 = arith.constant 2 : i32
      "tpu.region"() ({
        %run_scoped3A_1088 = tpu.sem_alloc : memref<!tpu.dma_semaphore, #tpu.memory_space<semaphore_mem>>
        %dma_start3A_1089 = arith.constant 256 : i32
        %dma_start3A_1090 = tpu.memref_slice %arg7[%dma_start3A_1089] : memref<512xf32, #tpu.memory_space<vmem>> -> memref<128xf32, #tpu.memory_space<vmem>>
        %dma_start3A_1091 = arith.constant 0 : i32
        %dma_start3A_1092 = tpu.memref_slice %arg8[%run_scoped3A_958, %dma_start3A_1091] : memref<4x128xi32, #tpu.memory_space<vmem>> -> memref<1x128xi32, #tpu.memory_space<vmem>>
        %dma_start3A_1093 = tpu.memref_squeeze %dma_start3A_1092 : memref<1x128xi32, #tpu.memory_space<vmem>> -> memref<128xi32, #tpu.memory_space<vmem>>
        %dma_start3A_1094 = arith.constant 0 : i32
        %dma_start3A_1095 = tpu.memref_slice %arg10[%dma_start3A_1094] : memref<16384xf32, #tpu.memory_space<vmem_shared>> -> memref<16384xf32, #tpu.memory_space<vmem_shared>>
        tpu.enqueue_indirect_dma source(%dma_start3A_1090 : memref<128xf32, #tpu.memory_space<vmem>>) target(%dma_start3A_1095 : memref<16384xf32, #tpu.memory_space<vmem_shared>>) offsets(%dma_start3A_1093 : memref<128xi32, #tpu.memory_space<vmem>>) semaphore(%run_scoped3A_1088 : memref<!tpu.dma_semaphore, #tpu.memory_space<semaphore_mem>>) {add = true}
        %dma_wait3A_1096 = arith.constant 256 : i32
        %dma_wait3A_1097 = tpu.memref_slice %arg7[%dma_wait3A_1096] : memref<512xf32, #tpu.memory_space<vmem>> -> memref<128xf32, #tpu.memory_space<vmem>>
        %dma_wait3A_1098 = arith.constant 0 : i32
        %dma_wait3A_1099 = tpu.memref_slice %arg8[%run_scoped3A_958, %dma_wait3A_1098] : memref<4x128xi32, #tpu.memory_space<vmem>> -> memref<1x128xi32, #tpu.memory_space<vmem>>
        %dma_wait3A_1100 = tpu.memref_squeeze %dma_wait3A_1099 : memref<1x128xi32, #tpu.memory_space<vmem>> -> memref<128xi32, #tpu.memory_space<vmem>>
        %dma_wait3A_1101 = arith.constant 0 : i32
        %dma_wait3A_1102 = tpu.memref_slice %arg10[%dma_wait3A_1101] : memref<16384xf32, #tpu.memory_space<vmem_shared>> -> memref<16384xf32, #tpu.memory_space<vmem_shared>>
        tpu.wait_indirect_dma semaphore(%run_scoped3A_1088 : memref<!tpu.dma_semaphore, #tpu.memory_space<semaphore_mem>>) src(%dma_wait3A_1097 : memref<128xf32, #tpu.memory_space<vmem>>) dst(%dma_wait3A_1102 : memref<16384xf32, #tpu.memory_space<vmem_shared>>)
        tpu.yield
      }) : () -> ()
      %get3A_959 = arith.constant 384 : index
      %get3A_960 = tpu.vector_load %arg6[%get3A_959] {strides = array<i32>} : memref<512xi32, #tpu.memory_space<vmem>>, vector<16xi32>,
      %get3A_961 = vector.shape_cast %get3A_960 : vector<16xi32> to vector<16xi32>
      %mul3A_962 = arith.constant 128 : i32
      %mul3A_963 = vector.broadcast %mul3A_962 : i32 to vector<16xi32>
      %mul3A_964 = arith.muli %get3A_961, %mul3A_963 : vector<16xi32>
      %get3A_965 = arith.constant 384 : index
      %get3A_966 = tpu.vector_load %arg5[%get3A_965] {strides = array<i32>} : memref<512xi32, #tpu.memory_space<vmem>>, vector<16xi32>,
      %get3A_967 = vector.shape_cast %get3A_966 : vector<16xi32> to vector<16xi32>
      %add3A_968 = arith.addi %mul3A_964, %get3A_967 : vector<16xi32>
      %swap3A_969 = arith.constant 3 : i32
      %swap3A_970 = arith.index_cast %swap3A_969 : i32 to index
      %swap3A_971 = arith.constant 0 : index
      %swap3A_972 = tpu.vector_load %arg8[%swap3A_970, %swap3A_971] {strides = array<i32>} : memref<4x128xi32, #tpu.memory_space<vmem>>, vector<1x16xi32>,
      %swap3A_973 = vector.shape_cast %swap3A_972 : vector<1x16xi32> to vector<16xi32>
      %swap3A_974 = vector.shape_cast %add3A_968 : vector<16xi32> to vector<1x16xi32>
      tpu.vector_store %arg8[%swap3A_970, %swap3A_971], %swap3A_974 {strides = array<i32>} : memref<4x128xi32, #tpu.memory_space<vmem>>, vector<1x16xi32>,
      %get3A_975 = arith.constant 400 : index
      %get3A_976 = tpu.vector_load %arg6[%get3A_975] {strides = array<i32>} : memref<512xi32, #tpu.memory_space<vmem>>, vector<16xi32>,
      %get3A_977 = vector.shape_cast %get3A_976 : vector<16xi32> to vector<16xi32>
      %mul3A_978 = arith.constant 128 : i32
      %mul3A_979 = vector.broadcast %mul3A_978 : i32 to vector<16xi32>
      %mul3A_980 = arith.muli %get3A_977, %mul3A_979 : vector<16xi32>
      %get3A_981 = arith.constant 400 : index
      %get3A_982 = tpu.vector_load %arg5[%get3A_981] {strides = array<i32>} : memref<512xi32, #tpu.memory_space<vmem>>, vector<16xi32>,
      %get3A_983 = vector.shape_cast %get3A_982 : vector<16xi32> to vector<16xi32>
      %add3A_984 = arith.addi %mul3A_980, %get3A_983 : vector<16xi32>
      %swap3A_985 = arith.constant 3 : i32
      %swap3A_986 = arith.index_cast %swap3A_985 : i32 to index
      %swap3A_987 = arith.constant 16 : index
      %swap3A_988 = tpu.vector_load %arg8[%swap3A_986, %swap3A_987] {strides = array<i32>} : memref<4x128xi32, #tpu.memory_space<vmem>>, vector<1x16xi32>,
      %swap3A_989 = vector.shape_cast %swap3A_988 : vector<1x16xi32> to vector<16xi32>
      %swap3A_990 = vector.shape_cast %add3A_984 : vector<16xi32> to vector<1x16xi32>
      tpu.vector_store %arg8[%swap3A_986, %swap3A_987], %swap3A_990 {strides = array<i32>} : memref<4x128xi32, #tpu.memory_space<vmem>>, vector<1x16xi32>,
      %get3A_991 = arith.constant 416 : index
      %get3A_992 = tpu.vector_load %arg6[%get3A_991] {strides = array<i32>} : memref<512xi32, #tpu.memory_space<vmem>>, vector<16xi32>,
      %get3A_993 = vector.shape_cast %get3A_992 : vector<16xi32> to vector<16xi32>
      %mul3A_994 = arith.constant 128 : i32
      %mul3A_995 = vector.broadcast %mul3A_994 : i32 to vector<16xi32>
      %mul3A_996 = arith.muli %get3A_993, %mul3A_995 : vector<16xi32>
      %get3A_997 = arith.constant 416 : index
      %get3A_998 = tpu.vector_load %arg5[%get3A_997] {strides = array<i32>} : memref<512xi32, #tpu.memory_space<vmem>>, vector<16xi32>,
      %get3A_999 = vector.shape_cast %get3A_998 : vector<16xi32> to vector<16xi32>
      %add3A_1000 = arith.addi %mul3A_996, %get3A_999 : vector<16xi32>
      %swap3A_1001 = arith.constant 3 : i32
      %swap3A_1002 = arith.index_cast %swap3A_1001 : i32 to index
      %swap3A_1003 = arith.constant 32 : index
      %swap3A_1004 = tpu.vector_load %arg8[%swap3A_1002, %swap3A_1003] {strides = array<i32>} : memref<4x128xi32, #tpu.memory_space<vmem>>, vector<1x16xi32>,
      %swap3A_1005 = vector.shape_cast %swap3A_1004 : vector<1x16xi32> to vector<16xi32>
      %swap3A_1006 = vector.shape_cast %add3A_1000 : vector<16xi32> to vector<1x16xi32>
      tpu.vector_store %arg8[%swap3A_1002, %swap3A_1003], %swap3A_1006 {strides = array<i32>} : memref<4x128xi32, #tpu.memory_space<vmem>>, vector<1x16xi32>,
      %get3A_1007 = arith.constant 432 : index
      %get3A_1008 = tpu.vector_load %arg6[%get3A_1007] {strides = array<i32>} : memref<512xi32, #tpu.memory_space<vmem>>, vector<16xi32>,
      %get3A_1009 = vector.shape_cast %get3A_1008 : vector<16xi32> to vector<16xi32>
      %mul3A_1010 = arith.constant 128 : i32
      %mul3A_1011 = vector.broadcast %mul3A_1010 : i32 to vector<16xi32>
      %mul3A_1012 = arith.muli %get3A_1009, %mul3A_1011 : vector<16xi32>
      %get3A_1013 = arith.constant 432 : index
      %get3A_1014 = tpu.vector_load %arg5[%get3A_1013] {strides = array<i32>} : memref<512xi32, #tpu.memory_space<vmem>>, vector<16xi32>,
      %get3A_1015 = vector.shape_cast %get3A_1014 : vector<16xi32> to vector<16xi32>
      %add3A_1016 = arith.addi %mul3A_1012, %get3A_1015 : vector<16xi32>
      %swap3A_1017 = arith.constant 3 : i32
      %swap3A_1018 = arith.index_cast %swap3A_1017 : i32 to index
      %swap3A_1019 = arith.constant 48 : index
      %swap3A_1020 = tpu.vector_load %arg8[%swap3A_1018, %swap3A_1019] {strides = array<i32>} : memref<4x128xi32, #tpu.memory_space<vmem>>, vector<1x16xi32>,
      %swap3A_1021 = vector.shape_cast %swap3A_1020 : vector<1x16xi32> to vector<16xi32>
      %swap3A_1022 = vector.shape_cast %add3A_1016 : vector<16xi32> to vector<1x16xi32>
      tpu.vector_store %arg8[%swap3A_1018, %swap3A_1019], %swap3A_1022 {strides = array<i32>} : memref<4x128xi32, #tpu.memory_space<vmem>>, vector<1x16xi32>,
      %get3A_1023 = arith.constant 448 : index
      %get3A_1024 = tpu.vector_load %arg6[%get3A_1023] {strides = array<i32>} : memref<512xi32, #tpu.memory_space<vmem>>, vector<16xi32>,
      %get3A_1025 = vector.shape_cast %get3A_1024 : vector<16xi32> to vector<16xi32>
      %mul3A_1026 = arith.constant 128 : i32
      %mul3A_1027 = vector.broadcast %mul3A_1026 : i32 to vector<16xi32>
      %mul3A_1028 = arith.muli %get3A_1025, %mul3A_1027 : vector<16xi32>
      %get3A_1029 = arith.constant 448 : index
      %get3A_1030 = tpu.vector_load %arg5[%get3A_1029] {strides = array<i32>} : memref<512xi32, #tpu.memory_space<vmem>>, vector<16xi32>,
      %get3A_1031 = vector.shape_cast %get3A_1030 : vector<16xi32> to vector<16xi32>
      %add3A_1032 = arith.addi %mul3A_1028, %get3A_1031 : vector<16xi32>
      %swap3A_1033 = arith.constant 3 : i32
      %swap3A_1034 = arith.index_cast %swap3A_1033 : i32 to index
      %swap3A_1035 = arith.constant 64 : index
      %swap3A_1036 = tpu.vector_load %arg8[%swap3A_1034, %swap3A_1035] {strides = array<i32>} : memref<4x128xi32, #tpu.memory_space<vmem>>, vector<1x16xi32>,
      %swap3A_1037 = vector.shape_cast %swap3A_1036 : vector<1x16xi32> to vector<16xi32>
      %swap3A_1038 = vector.shape_cast %add3A_1032 : vector<16xi32> to vector<1x16xi32>
      tpu.vector_store %arg8[%swap3A_1034, %swap3A_1035], %swap3A_1038 {strides = array<i32>} : memref<4x128xi32, #tpu.memory_space<vmem>>, vector<1x16xi32>,
      %get3A_1039 = arith.constant 464 : index
      %get3A_1040 = tpu.vector_load %arg6[%get3A_1039] {strides = array<i32>} : memref<512xi32, #tpu.memory_space<vmem>>, vector<16xi32>,
      %get3A_1041 = vector.shape_cast %get3A_1040 : vector<16xi32> to vector<16xi32>
      %mul3A_1042 = arith.constant 128 : i32
      %mul3A_1043 = vector.broadcast %mul3A_1042 : i32 to vector<16xi32>
      %mul3A_1044 = arith.muli %get3A_1041, %mul3A_1043 : vector<16xi32>
      %get3A_1045 = arith.constant 464 : index
      %get3A_1046 = tpu.vector_load %arg5[%get3A_1045] {strides = array<i32>} : memref<512xi32, #tpu.memory_space<vmem>>, vector<16xi32>,
      %get3A_1047 = vector.shape_cast %get3A_1046 : vector<16xi32> to vector<16xi32>
      %add3A_1048 = arith.addi %mul3A_1044, %get3A_1047 : vector<16xi32>
      %swap3A_1049 = arith.constant 3 : i32
      %swap3A_1050 = arith.index_cast %swap3A_1049 : i32 to index
      %swap3A_1051 = arith.constant 80 : index
      %swap3A_1052 = tpu.vector_load %arg8[%swap3A_1050, %swap3A_1051] {strides = array<i32>} : memref<4x128xi32, #tpu.memory_space<vmem>>, vector<1x16xi32>,
      %swap3A_1053 = vector.shape_cast %swap3A_1052 : vector<1x16xi32> to vector<16xi32>
      %swap3A_1054 = vector.shape_cast %add3A_1048 : vector<16xi32> to vector<1x16xi32>
      tpu.vector_store %arg8[%swap3A_1050, %swap3A_1051], %swap3A_1054 {strides = array<i32>} : memref<4x128xi32, #tpu.memory_space<vmem>>, vector<1x16xi32>,
      %get3A_1055 = arith.constant 480 : index
      %get3A_1056 = tpu.vector_load %arg6[%get3A_1055] {strides = array<i32>} : memref<512xi32, #tpu.memory_space<vmem>>, vector<16xi32>,
      %get3A_1057 = vector.shape_cast %get3A_1056 : vector<16xi32> to vector<16xi32>
      %mul3A_1058 = arith.constant 128 : i32
      %mul3A_1059 = vector.broadcast %mul3A_1058 : i32 to vector<16xi32>
      %mul3A_1060 = arith.muli %get3A_1057, %mul3A_1059 : vector<16xi32>
      %get3A_1061 = arith.constant 480 : index
      %get3A_1062 = tpu.vector_load %arg5[%get3A_1061] {strides = array<i32>} : memref<512xi32, #tpu.memory_space<vmem>>, vector<16xi32>,
      %get3A_1063 = vector.shape_cast %get3A_1062 : vector<16xi32> to vector<16xi32>
      %add3A_1064 = arith.addi %mul3A_1060, %get3A_1063 : vector<16xi32>
      %swap3A_1065 = arith.constant 3 : i32
      %swap3A_1066 = arith.index_cast %swap3A_1065 : i32 to index
      %swap3A_1067 = arith.constant 96 : index
      %swap3A_1068 = tpu.vector_load %arg8[%swap3A_1066, %swap3A_1067] {strides = array<i32>} : memref<4x128xi32, #tpu.memory_space<vmem>>, vector<1x16xi32>,
      %swap3A_1069 = vector.shape_cast %swap3A_1068 : vector<1x16xi32> to vector<16xi32>
      %swap3A_1070 = vector.shape_cast %add3A_1064 : vector<16xi32> to vector<1x16xi32>
      tpu.vector_store %arg8[%swap3A_1066, %swap3A_1067], %swap3A_1070 {strides = array<i32>} : memref<4x128xi32, #tpu.memory_space<vmem>>, vector<1x16xi32>,
      %get3A_1071 = arith.constant 496 : index
      %get3A_1072 = tpu.vector_load %arg6[%get3A_1071] {strides = array<i32>} : memref<512xi32, #tpu.memory_space<vmem>>, vector<16xi32>,
      %get3A_1073 = vector.shape_cast %get3A_1072 : vector<16xi32> to vector<16xi32>
      %mul3A_1074 = arith.constant 128 : i32
      %mul3A_1075 = vector.broadcast %mul3A_1074 : i32 to vector<16xi32>
      %mul3A_1076 = arith.muli %get3A_1073, %mul3A_1075 : vector<16xi32>
      %get3A_1077 = arith.constant 496 : index
      %get3A_1078 = tpu.vector_load %arg5[%get3A_1077] {strides = array<i32>} : memref<512xi32, #tpu.memory_space<vmem>>, vector<16xi32>,
      %get3A_1079 = vector.shape_cast %get3A_1078 : vector<16xi32> to vector<16xi32>
      %add3A_1080 = arith.addi %mul3A_1076, %get3A_1079 : vector<16xi32>
      %swap3A_1081 = arith.constant 3 : i32
      %swap3A_1082 = arith.index_cast %swap3A_1081 : i32 to index
      %swap3A_1083 = arith.constant 112 : index
      %swap3A_1084 = tpu.vector_load %arg8[%swap3A_1082, %swap3A_1083] {strides = array<i32>} : memref<4x128xi32, #tpu.memory_space<vmem>>, vector<1x16xi32>,
      %swap3A_1085 = vector.shape_cast %swap3A_1084 : vector<1x16xi32> to vector<16xi32>
      %swap3A_1086 = vector.shape_cast %add3A_1080 : vector<16xi32> to vector<1x16xi32>
      tpu.vector_store %arg8[%swap3A_1082, %swap3A_1083], %swap3A_1086 {strides = array<i32>} : memref<4x128xi32, #tpu.memory_space<vmem>>, vector<1x16xi32>,
      %run_scoped3A_1087 = arith.constant 3 : i32
      "tpu.region"() ({
        %run_scoped3A_1088 = tpu.sem_alloc : memref<!tpu.dma_semaphore, #tpu.memory_space<semaphore_mem>>
        %dma_start3A_1089 = arith.constant 384 : i32
        %dma_start3A_1090 = tpu.memref_slice %arg7[%dma_start3A_1089] : memref<512xf32, #tpu.memory_space<vmem>> -> memref<128xf32, #tpu.memory_space<vmem>>
        %dma_start3A_1091 = arith.constant 0 : i32
        %dma_start3A_1092 = tpu.memref_slice %arg8[%run_scoped3A_1087, %dma_start3A_1091] : memref<4x128xi32, #tpu.memory_space<vmem>> -> memref<1x128xi32, #tpu.memory_space<vmem>>
        %dma_start3A_1093 = tpu.memref_squeeze %dma_start3A_1092 : memref<1x128xi32, #tpu.memory_space<vmem>> -> memref<128xi32, #tpu.memory_space<vmem>>
        %dma_start3A_1094 = arith.constant 0 : i32
        %dma_start3A_1095 = tpu.memref_slice %arg10[%dma_start3A_1094] : memref<16384xf32, #tpu.memory_space<vmem_shared>> -> memref<16384xf32, #tpu.memory_space<vmem_shared>>
        tpu.enqueue_indirect_dma source(%dma_start3A_1090 : memref<128xf32, #tpu.memory_space<vmem>>) target(%dma_start3A_1095 : memref<16384xf32, #tpu.memory_space<vmem_shared>>) offsets(%dma_start3A_1093 : memref<128xi32, #tpu.memory_space<vmem>>) semaphore(%run_scoped3A_1088 : memref<!tpu.dma_semaphore, #tpu.memory_space<semaphore_mem>>) {add = true}
        %dma_wait3A_1096 = arith.constant 384 : i32
        %dma_wait3A_1097 = tpu.memref_slice %arg7[%dma_wait3A_1096] : memref<512xf32, #tpu.memory_space<vmem>> -> memref<128xf32, #tpu.memory_space<vmem>>
        %dma_wait3A_1098 = arith.constant 0 : i32
        %dma_wait3A_1099 = tpu.memref_slice %arg8[%run_scoped3A_1087, %dma_wait3A_1098] : memref<4x128xi32, #tpu.memory_space<vmem>> -> memref<1x128xi32, #tpu.memory_space<vmem>>
        %dma_wait3A_1100 = tpu.memref_squeeze %dma_wait3A_1099 : memref<1x128xi32, #tpu.memory_space<vmem>> -> memref<128xi32, #tpu.memory_space<vmem>>
        %dma_wait3A_1101 = arith.constant 0 : i32
        %dma_wait3A_1102 = tpu.memref_slice %arg10[%dma_wait3A_1101] : memref<16384xf32, #tpu.memory_space<vmem_shared>> -> memref<16384xf32, #tpu.memory_space<vmem_shared>>
        tpu.wait_indirect_dma semaphore(%run_scoped3A_1088 : memref<!tpu.dma_semaphore, #tpu.memory_space<semaphore_mem>>) src(%dma_wait3A_1097 : memref<128xf32, #tpu.memory_space<vmem>>) dst(%dma_wait3A_1102 : memref<16384xf32, #tpu.memory_space<vmem_shared>>)
        tpu.yield
      }) : () -> ()
    } else {
    }
    %barrier3A_685 = arith.constant 0 : index
    tpu.barrier barrier_id(%barrier3A_685)
    %mul3A_686 = arith.constant 1024 : i32
    %mul3A_687 = arith.muli %arg1, %mul3A_686 : i32
    %add3A_688 = arith.constant 0 : i32
    %add3A_689 = arith.addi %mul3A_687, %add3A_688 : i32
    %dma_start3A_690 = arith.constant 0 : i32
    %dma_start3A_691 = arith.constant 0 : i32
    %dma_start3A_692 = tpu.memref_slice %arg4[%arg1, %dma_start3A_690, %dma_start3A_691] : memref<16x8x128xf32, #tpu.memory_space<hbm>> -> memref<1x1x128xf32, #tpu.memory_space<hbm>>
    %dma_start3A_693 = tpu.memref_squeeze %dma_start3A_692 : memref<1x1x128xf32, #tpu.memory_space<hbm>> -> memref<128xf32, #tpu.memory_space<hbm>>
    %dma_start3A_694 = tpu.memref_slice %arg10[%add3A_689] : memref<16384xf32, #tpu.memory_space<vmem_shared>> -> memref<128xf32, #tpu.memory_space<vmem_shared>>
    tpu.enqueue_dma source(%dma_start3A_694 : memref<128xf32, #tpu.memory_space<vmem_shared>>) target(%dma_start3A_693 : memref<128xf32, #tpu.memory_space<hbm>>) target_semaphore(%arg11 : memref<!tpu.dma_semaphore, #tpu.memory_space<semaphore_mem>>)
    %mul3A_695 = arith.constant 1024 : i32
    %mul3A_696 = arith.muli %arg1, %mul3A_695 : i32
    %add3A_697 = arith.constant 128 : i32
    %add3A_698 = arith.addi %mul3A_696, %add3A_697 : i32
    %dma_start3A_699 = arith.constant 1 : i32
    %dma_start3A_700 = arith.constant 0 : i32
    %dma_start3A_701 = tpu.memref_slice %arg4[%arg1, %dma_start3A_699, %dma_start3A_700] : memref<16x8x128xf32, #tpu.memory_space<hbm>> -> memref<1x1x128xf32, #tpu.memory_space<hbm>>
    %dma_start3A_702 = tpu.memref_squeeze %dma_start3A_701 : memref<1x1x128xf32, #tpu.memory_space<hbm>> -> memref<128xf32, #tpu.memory_space<hbm>>
    %dma_start3A_703 = tpu.memref_slice %arg10[%add3A_698] : memref<16384xf32, #tpu.memory_space<vmem_shared>> -> memref<128xf32, #tpu.memory_space<vmem_shared>>
    tpu.enqueue_dma source(%dma_start3A_703 : memref<128xf32, #tpu.memory_space<vmem_shared>>) target(%dma_start3A_702 : memref<128xf32, #tpu.memory_space<hbm>>) target_semaphore(%arg11 : memref<!tpu.dma_semaphore, #tpu.memory_space<semaphore_mem>>)
    %mul3A_704 = arith.constant 1024 : i32
    %mul3A_705 = arith.muli %arg1, %mul3A_704 : i32
    %add3A_706 = arith.constant 256 : i32
    %add3A_707 = arith.addi %mul3A_705, %add3A_706 : i32
    %dma_start3A_708 = arith.constant 2 : i32
    %dma_start3A_709 = arith.constant 0 : i32
    %dma_start3A_710 = tpu.memref_slice %arg4[%arg1, %dma_start3A_708, %dma_start3A_709] : memref<16x8x128xf32, #tpu.memory_space<hbm>> -> memref<1x1x128xf32, #tpu.memory_space<hbm>>
    %dma_start3A_711 = tpu.memref_squeeze %dma_start3A_710 : memref<1x1x128xf32, #tpu.memory_space<hbm>> -> memref<128xf32, #tpu.memory_space<hbm>>
    %dma_start3A_712 = tpu.memref_slice %arg10[%add3A_707] : memref<16384xf32, #tpu.memory_space<vmem_shared>> -> memref<128xf32, #tpu.memory_space<vmem_shared>>
    tpu.enqueue_dma source(%dma_start3A_712 : memref<128xf32, #tpu.memory_space<vmem_shared>>) target(%dma_start3A_711 : memref<128xf32, #tpu.memory_space<hbm>>) target_semaphore(%arg11 : memref<!tpu.dma_semaphore, #tpu.memory_space<semaphore_mem>>)
    %mul3A_713 = arith.constant 1024 : i32
    %mul3A_714 = arith.muli %arg1, %mul3A_713 : i32
    %add3A_715 = arith.constant 384 : i32
    %add3A_716 = arith.addi %mul3A_714, %add3A_715 : i32
    %dma_start3A_717 = arith.constant 3 : i32
    %dma_start3A_718 = arith.constant 0 : i32
    %dma_start3A_719 = tpu.memref_slice %arg4[%arg1, %dma_start3A_717, %dma_start3A_718] : memref<16x8x128xf32, #tpu.memory_space<hbm>> -> memref<1x1x128xf32, #tpu.memory_space<hbm>>
    %dma_start3A_720 = tpu.memref_squeeze %dma_start3A_719 : memref<1x1x128xf32, #tpu.memory_space<hbm>> -> memref<128xf32, #tpu.memory_space<hbm>>
    %dma_start3A_721 = tpu.memref_slice %arg10[%add3A_716] : memref<16384xf32, #tpu.memory_space<vmem_shared>> -> memref<128xf32, #tpu.memory_space<vmem_shared>>
    tpu.enqueue_dma source(%dma_start3A_721 : memref<128xf32, #tpu.memory_space<vmem_shared>>) target(%dma_start3A_720 : memref<128xf32, #tpu.memory_space<hbm>>) target_semaphore(%arg11 : memref<!tpu.dma_semaphore, #tpu.memory_space<semaphore_mem>>)
    %mul3A_722 = arith.constant 1024 : i32
    %mul3A_723 = arith.muli %arg1, %mul3A_722 : i32
    %add3A_724 = arith.constant 512 : i32
    %add3A_725 = arith.addi %mul3A_723, %add3A_724 : i32
    %dma_start3A_726 = arith.constant 4 : i32
    %dma_start3A_727 = arith.constant 0 : i32
    %dma_start3A_728 = tpu.memref_slice %arg4[%arg1, %dma_start3A_726, %dma_start3A_727] : memref<16x8x128xf32, #tpu.memory_space<hbm>> -> memref<1x1x128xf32, #tpu.memory_space<hbm>>
    %dma_start3A_729 = tpu.memref_squeeze %dma_start3A_728 : memref<1x1x128xf32, #tpu.memory_space<hbm>> -> memref<128xf32, #tpu.memory_space<hbm>>
    %dma_start3A_730 = tpu.memref_slice %arg10[%add3A_725] : memref<16384xf32, #tpu.memory_space<vmem_shared>> -> memref<128xf32, #tpu.memory_space<vmem_shared>>
    tpu.enqueue_dma source(%dma_start3A_730 : memref<128xf32, #tpu.memory_space<vmem_shared>>) target(%dma_start3A_729 : memref<128xf32, #tpu.memory_space<hbm>>) target_semaphore(%arg11 : memref<!tpu.dma_semaphore, #tpu.memory_space<semaphore_mem>>)
    %mul3A_731 = arith.constant 1024 : i32
    %mul3A_732 = arith.muli %arg1, %mul3A_731 : i32
    %add3A_733 = arith.constant 640 : i32
    %add3A_734 = arith.addi %mul3A_732, %add3A_733 : i32
    %dma_start3A_735 = arith.constant 5 : i32
    %dma_start3A_736 = arith.constant 0 : i32
    %dma_start3A_737 = tpu.memref_slice %arg4[%arg1, %dma_start3A_735, %dma_start3A_736] : memref<16x8x128xf32, #tpu.memory_space<hbm>> -> memref<1x1x128xf32, #tpu.memory_space<hbm>>
    %dma_start3A_738 = tpu.memref_squeeze %dma_start3A_737 : memref<1x1x128xf32, #tpu.memory_space<hbm>> -> memref<128xf32, #tpu.memory_space<hbm>>
    %dma_start3A_739 = tpu.memref_slice %arg10[%add3A_734] : memref<16384xf32, #tpu.memory_space<vmem_shared>> -> memref<128xf32, #tpu.memory_space<vmem_shared>>
    tpu.enqueue_dma source(%dma_start3A_739 : memref<128xf32, #tpu.memory_space<vmem_shared>>) target(%dma_start3A_738 : memref<128xf32, #tpu.memory_space<hbm>>) target_semaphore(%arg11 : memref<!tpu.dma_semaphore, #tpu.memory_space<semaphore_mem>>)
    %mul3A_740 = arith.constant 1024 : i32
    %mul3A_741 = arith.muli %arg1, %mul3A_740 : i32
    %add3A_742 = arith.constant 768 : i32
    %add3A_743 = arith.addi %mul3A_741, %add3A_742 : i32
    %dma_start3A_744 = arith.constant 6 : i32
    %dma_start3A_745 = arith.constant 0 : i32
    %dma_start3A_746 = tpu.memref_slice %arg4[%arg1, %dma_start3A_744, %dma_start3A_745] : memref<16x8x128xf32, #tpu.memory_space<hbm>> -> memref<1x1x128xf32, #tpu.memory_space<hbm>>
    %dma_start3A_747 = tpu.memref_squeeze %dma_start3A_746 : memref<1x1x128xf32, #tpu.memory_space<hbm>> -> memref<128xf32, #tpu.memory_space<hbm>>
    %dma_start3A_748 = tpu.memref_slice %arg10[%add3A_743] : memref<16384xf32, #tpu.memory_space<vmem_shared>> -> memref<128xf32, #tpu.memory_space<vmem_shared>>
    tpu.enqueue_dma source(%dma_start3A_748 : memref<128xf32, #tpu.memory_space<vmem_shared>>) target(%dma_start3A_747 : memref<128xf32, #tpu.memory_space<hbm>>) target_semaphore(%arg11 : memref<!tpu.dma_semaphore, #tpu.memory_space<semaphore_mem>>)
    %mul3A_749 = arith.constant 1024 : i32
    %mul3A_750 = arith.muli %arg1, %mul3A_749 : i32
    %add3A_751 = arith.constant 896 : i32
    %add3A_752 = arith.addi %mul3A_750, %add3A_751 : i32
    %dma_start3A_753 = arith.constant 7 : i32
    %dma_start3A_754 = arith.constant 0 : i32
    %dma_start3A_755 = tpu.memref_slice %arg4[%arg1, %dma_start3A_753, %dma_start3A_754] : memref<16x8x128xf32, #tpu.memory_space<hbm>> -> memref<1x1x128xf32, #tpu.memory_space<hbm>>
    %dma_start3A_756 = tpu.memref_squeeze %dma_start3A_755 : memref<1x1x128xf32, #tpu.memory_space<hbm>> -> memref<128xf32, #tpu.memory_space<hbm>>
    %dma_start3A_757 = tpu.memref_slice %arg10[%add3A_752] : memref<16384xf32, #tpu.memory_space<vmem_shared>> -> memref<128xf32, #tpu.memory_space<vmem_shared>>
    tpu.enqueue_dma source(%dma_start3A_757 : memref<128xf32, #tpu.memory_space<vmem_shared>>) target(%dma_start3A_756 : memref<128xf32, #tpu.memory_space<hbm>>) target_semaphore(%arg11 : memref<!tpu.dma_semaphore, #tpu.memory_space<semaphore_mem>>)
    %dma_wait3A_758 = arith.constant 0 : i32
    %dma_wait3A_759 = arith.constant 0 : i32
    %dma_wait3A_760 = tpu.memref_slice %arg4[%arg1, %dma_wait3A_758, %dma_wait3A_759] : memref<16x8x128xf32, #tpu.memory_space<hbm>> -> memref<1x1x128xf32, #tpu.memory_space<hbm>>
    %dma_wait3A_761 = tpu.memref_squeeze %dma_wait3A_760 : memref<1x1x128xf32, #tpu.memory_space<hbm>> -> memref<128xf32, #tpu.memory_space<hbm>>
    %dma_wait3A_762 = tpu.memref_slice %arg10[%add3A_689] : memref<16384xf32, #tpu.memory_space<vmem_shared>> -> memref<128xf32, #tpu.memory_space<vmem_shared>>
    tpu.wait_dma2 semaphore(%arg11 : memref<!tpu.dma_semaphore, #tpu.memory_space<semaphore_mem>>) src(%dma_wait3A_762 : memref<128xf32, #tpu.memory_space<vmem_shared>>) dst(%dma_wait3A_761 : memref<128xf32, #tpu.memory_space<hbm>>)
    %dma_wait3A_763 = arith.constant 1 : i32
    %dma_wait3A_764 = arith.constant 0 : i32
    %dma_wait3A_765 = tpu.memref_slice %arg4[%arg1, %dma_wait3A_763, %dma_wait3A_764] : memref<16x8x128xf32, #tpu.memory_space<hbm>> -> memref<1x1x128xf32, #tpu.memory_space<hbm>>
    %dma_wait3A_766 = tpu.memref_squeeze %dma_wait3A_765 : memref<1x1x128xf32, #tpu.memory_space<hbm>> -> memref<128xf32, #tpu.memory_space<hbm>>
    %dma_wait3A_767 = tpu.memref_slice %arg10[%add3A_698] : memref<16384xf32, #tpu.memory_space<vmem_shared>> -> memref<128xf32, #tpu.memory_space<vmem_shared>>
    tpu.wait_dma2 semaphore(%arg11 : memref<!tpu.dma_semaphore, #tpu.memory_space<semaphore_mem>>) src(%dma_wait3A_767 : memref<128xf32, #tpu.memory_space<vmem_shared>>) dst(%dma_wait3A_766 : memref<128xf32, #tpu.memory_space<hbm>>)
    %dma_wait3A_768 = arith.constant 2 : i32
    %dma_wait3A_769 = arith.constant 0 : i32
    %dma_wait3A_770 = tpu.memref_slice %arg4[%arg1, %dma_wait3A_768, %dma_wait3A_769] : memref<16x8x128xf32, #tpu.memory_space<hbm>> -> memref<1x1x128xf32, #tpu.memory_space<hbm>>
    %dma_wait3A_771 = tpu.memref_squeeze %dma_wait3A_770 : memref<1x1x128xf32, #tpu.memory_space<hbm>> -> memref<128xf32, #tpu.memory_space<hbm>>
    %dma_wait3A_772 = tpu.memref_slice %arg10[%add3A_707] : memref<16384xf32, #tpu.memory_space<vmem_shared>> -> memref<128xf32, #tpu.memory_space<vmem_shared>>
    tpu.wait_dma2 semaphore(%arg11 : memref<!tpu.dma_semaphore, #tpu.memory_space<semaphore_mem>>) src(%dma_wait3A_772 : memref<128xf32, #tpu.memory_space<vmem_shared>>) dst(%dma_wait3A_771 : memref<128xf32, #tpu.memory_space<hbm>>)
    %dma_wait3A_773 = arith.constant 3 : i32
    %dma_wait3A_774 = arith.constant 0 : i32
    %dma_wait3A_775 = tpu.memref_slice %arg4[%arg1, %dma_wait3A_773, %dma_wait3A_774] : memref<16x8x128xf32, #tpu.memory_space<hbm>> -> memref<1x1x128xf32, #tpu.memory_space<hbm>>
    %dma_wait3A_776 = tpu.memref_squeeze %dma_wait3A_775 : memref<1x1x128xf32, #tpu.memory_space<hbm>> -> memref<128xf32, #tpu.memory_space<hbm>>
    %dma_wait3A_777 = tpu.memref_slice %arg10[%add3A_716] : memref<16384xf32, #tpu.memory_space<vmem_shared>> -> memref<128xf32, #tpu.memory_space<vmem_shared>>
    tpu.wait_dma2 semaphore(%arg11 : memref<!tpu.dma_semaphore, #tpu.memory_space<semaphore_mem>>) src(%dma_wait3A_777 : memref<128xf32, #tpu.memory_space<vmem_shared>>) dst(%dma_wait3A_776 : memref<128xf32, #tpu.memory_space<hbm>>)
    %dma_wait3A_778 = arith.constant 4 : i32
    %dma_wait3A_779 = arith.constant 0 : i32
    %dma_wait3A_780 = tpu.memref_slice %arg4[%arg1, %dma_wait3A_778, %dma_wait3A_779] : memref<16x8x128xf32, #tpu.memory_space<hbm>> -> memref<1x1x128xf32, #tpu.memory_space<hbm>>
    %dma_wait3A_781 = tpu.memref_squeeze %dma_wait3A_780 : memref<1x1x128xf32, #tpu.memory_space<hbm>> -> memref<128xf32, #tpu.memory_space<hbm>>
    %dma_wait3A_782 = tpu.memref_slice %arg10[%add3A_725] : memref<16384xf32, #tpu.memory_space<vmem_shared>> -> memref<128xf32, #tpu.memory_space<vmem_shared>>
    tpu.wait_dma2 semaphore(%arg11 : memref<!tpu.dma_semaphore, #tpu.memory_space<semaphore_mem>>) src(%dma_wait3A_782 : memref<128xf32, #tpu.memory_space<vmem_shared>>) dst(%dma_wait3A_781 : memref<128xf32, #tpu.memory_space<hbm>>)
    %dma_wait3A_783 = arith.constant 5 : i32
    %dma_wait3A_784 = arith.constant 0 : i32
    %dma_wait3A_785 = tpu.memref_slice %arg4[%arg1, %dma_wait3A_783, %dma_wait3A_784] : memref<16x8x128xf32, #tpu.memory_space<hbm>> -> memref<1x1x128xf32, #tpu.memory_space<hbm>>
    %dma_wait3A_786 = tpu.memref_squeeze %dma_wait3A_785 : memref<1x1x128xf32, #tpu.memory_space<hbm>> -> memref<128xf32, #tpu.memory_space<hbm>>
    %dma_wait3A_787 = tpu.memref_slice %arg10[%add3A_734] : memref<16384xf32, #tpu.memory_space<vmem_shared>> -> memref<128xf32, #tpu.memory_space<vmem_shared>>
    tpu.wait_dma2 semaphore(%arg11 : memref<!tpu.dma_semaphore, #tpu.memory_space<semaphore_mem>>) src(%dma_wait3A_787 : memref<128xf32, #tpu.memory_space<vmem_shared>>) dst(%dma_wait3A_786 : memref<128xf32, #tpu.memory_space<hbm>>)
    %dma_wait3A_788 = arith.constant 6 : i32
    %dma_wait3A_789 = arith.constant 0 : i32
    %dma_wait3A_790 = tpu.memref_slice %arg4[%arg1, %dma_wait3A_788, %dma_wait3A_789] : memref<16x8x128xf32, #tpu.memory_space<hbm>> -> memref<1x1x128xf32, #tpu.memory_space<hbm>>
    %dma_wait3A_791 = tpu.memref_squeeze %dma_wait3A_790 : memref<1x1x128xf32, #tpu.memory_space<hbm>> -> memref<128xf32, #tpu.memory_space<hbm>>
    %dma_wait3A_792 = tpu.memref_slice %arg10[%add3A_743] : memref<16384xf32, #tpu.memory_space<vmem_shared>> -> memref<128xf32, #tpu.memory_space<vmem_shared>>
    tpu.wait_dma2 semaphore(%arg11 : memref<!tpu.dma_semaphore, #tpu.memory_space<semaphore_mem>>) src(%dma_wait3A_792 : memref<128xf32, #tpu.memory_space<vmem_shared>>) dst(%dma_wait3A_791 : memref<128xf32, #tpu.memory_space<hbm>>)
    %dma_wait3A_793 = arith.constant 7 : i32
    %dma_wait3A_794 = arith.constant 0 : i32
    %dma_wait3A_795 = tpu.memref_slice %arg4[%arg1, %dma_wait3A_793, %dma_wait3A_794] : memref<16x8x128xf32, #tpu.memory_space<hbm>> -> memref<1x1x128xf32, #tpu.memory_space<hbm>>
    %dma_wait3A_796 = tpu.memref_squeeze %dma_wait3A_795 : memref<1x1x128xf32, #tpu.memory_space<hbm>> -> memref<128xf32, #tpu.memory_space<hbm>>
    %dma_wait3A_797 = tpu.memref_slice %arg10[%add3A_752] : memref<16384xf32, #tpu.memory_space<vmem_shared>> -> memref<128xf32, #tpu.memory_space<vmem_shared>>
    tpu.wait_dma2 semaphore(%arg11 : memref<!tpu.dma_semaphore, #tpu.memory_space<semaphore_mem>>) src(%dma_wait3A_797 : memref<128xf32, #tpu.memory_space<vmem_shared>>) dst(%dma_wait3A_796 : memref<128xf32, #tpu.memory_space<hbm>>)
    return
  }
}

module attributes {stable_mosaic.version = 14 : i64} {
  func.func @_dense_body(%arg0: memref<16x8x128xf32, #tpu.memory_space<vmem>>, %arg1: memref<1x100x128xf32, #tpu.memory_space<vmem>>, %arg2: memref<128x64xf32, #tpu.memory_space<vmem>>, %arg3: memref<64xf32, #tpu.memory_space<vmem>>, %arg4: memref<64x128xf32, #tpu.memory_space<vmem>>, %arg5: memref<128xf32, #tpu.memory_space<vmem>>, %arg6: memref<128x256xf32, #tpu.memory_space<vmem>>, %arg7: memref<256xf32, #tpu.memory_space<vmem>>, %arg8: memref<256xf32, #tpu.memory_space<vmem>>, %arg9: memref<256xf32, #tpu.memory_space<vmem>>, %arg10: memref<256x10xf32, #tpu.memory_space<vmem>>, %arg11: memref<10xf32, #tpu.memory_space<vmem>>, %arg12: memref<1000x128xf32, #tpu.memory_space<vmem>>, %arg13: memref<128xf32, #tpu.memory_space<vmem>>, %arg14: memref<128xf32, #tpu.memory_space<vmem>>) attributes {dimension_semantics = [], scalar_prefetch = 0 : i64, scratch_operands = 0 : i64, tpu.core_type = #tpu.core_type<tc>} {
    %get3A = arith.constant 0 : index
    %get3A_0 = arith.constant 0 : index
    %get3A_1 = arith.constant 0 : index
    %get3A_2 = vector.load %arg0[%get3A, %get3A_0, %get3A_1] : memref<16x8x128xf32, #tpu.memory_space<vmem>>, vector<16x8x128xf32>
    %reshape3A = vector.shape_cast %get3A_2 : vector<16x8x128xf32> to vector<128x128xf32>
    %reduce_sum3A = arith.constant dense<0.000000e+00> : vector<128xf32>
    %reduce_sum3A_3 = vector.multi_reduction <add>, %reshape3A, %reduce_sum3A [1] : vector<128x128xf32> to vector<128xf32>
    %broadcast_in_dim3A = vector.shape_cast %reduce_sum3A_3 : vector<128xf32> to vector<128x1xf32>
    %add3A = arith.constant 1.000000e+00 : f32
    %add3A_4 = vector.broadcast %add3A : f32 to vector<128x1xf32>
    %add3A_5 = arith.addf %broadcast_in_dim3A, %add3A_4 : vector<128x1xf32>
    %rsqrt3A = math.rsqrt %add3A_5 : vector<128x1xf32>
    %get3A_6 = arith.constant 0 : index
    %get3A_7 = arith.constant 0 : index
    %get3A_8 = arith.constant 0 : index
    %get3A_9 = vector.load %arg1[%get3A_6, %get3A_7, %get3A_8] : memref<1x100x128xf32, #tpu.memory_space<vmem>>, vector<1x100x128xf32>
    %get3A_10 = vector.shape_cast %get3A_9 : vector<1x100x128xf32> to vector<100x128xf32>
    %broadcast_in_dim3A_11 = arith.constant 0.000000e+00 : f32
    %broadcast_in_dim3A_12 = vector.broadcast %broadcast_in_dim3A_11 : f32 to vector<28x128xf32>
    %concatenate3A = tpu.concatenate %get3A_10, %broadcast_in_dim3A_12 in 0 : vector<100x128xf32>, vector<28x128xf32> -> vector<128x128xf32>
    %get3A_13 = arith.constant 0 : index
    %get3A_14 = arith.constant 0 : index
    %get3A_15 = vector.load %arg2[%get3A_13, %get3A_14] : memref<128x64xf32, #tpu.memory_space<vmem>>, vector<128x64xf32>
    %get3A_16 = arith.constant 0 : index
    %get3A_17 = vector.load %arg3[%get3A_16] : memref<64xf32, #tpu.memory_space<vmem>>, vector<64xf32>
    %dot_general3A = arith.constant dense<0.000000e+00> : vector<128x64xf32>
    %dot_general3A_18 = tpu.matmul %concatenate3A, %get3A_15, %dot_general3A {dimension_numbers = #tpu.dot_dimension_numbers<[1], [0], [0], [1], [0, 0, 1, 1], [], []>, transpose_lhs_hint = false} : vector<128x128xf32>, vector<128x64xf32>, vector<128x64xf32> -> vector<128x64xf32>
    %mul3A = vector.broadcast %rsqrt3A : vector<128x1xf32> to vector<128x64xf32>
    %mul3A_19 = arith.mulf %mul3A, %dot_general3A_18 : vector<128x64xf32>
    %dot_general3A_20 = arith.constant dense<0.000000e+00> : vector<128x64xf32>
    %dot_general3A_21 = tpu.matmul %reshape3A, %mul3A_19, %dot_general3A_20 {dimension_numbers = #tpu.dot_dimension_numbers<[1], [0], [0], [1], [0, 0, 1, 1], [], []>, precision = #tpu.contract_precision<fp32>, transpose_lhs_hint = false} : vector<128x128xf32>, vector<128x64xf32>, vector<128x64xf32> -> vector<128x64xf32>
    %add3A_22 = arith.addf %dot_general3A_21, %mul3A_19 : vector<128x64xf32>
    %mul3A_23 = vector.broadcast %rsqrt3A : vector<128x1xf32> to vector<128x64xf32>
    %mul3A_24 = arith.mulf %mul3A_23, %add3A_22 : vector<128x64xf32>
    %broadcast_in_dim3A_25 = vector.shape_cast %get3A_17 : vector<64xf32> to vector<1x64xf32>
    %add3A_26 = vector.broadcast %broadcast_in_dim3A_25 : vector<1x64xf32> to vector<128x64xf32>
    %add3A_27 = arith.addf %mul3A_24, %add3A_26 : vector<128x64xf32>
    %max3A = arith.constant 0.000000e+00 : f32
    %max3A_28 = vector.broadcast %max3A : f32 to vector<128x64xf32>
    %max3A_29 = arith.maximumf %add3A_27, %max3A_28 : vector<128x64xf32>
    %get3A_30 = arith.constant 0 : index
    %get3A_31 = arith.constant 0 : index
    %get3A_32 = vector.load %arg4[%get3A_30, %get3A_31] : memref<64x128xf32, #tpu.memory_space<vmem>>, vector<64x128xf32>
    %get3A_33 = arith.constant 0 : index
    %get3A_34 = vector.load %arg5[%get3A_33] : memref<128xf32, #tpu.memory_space<vmem>>, vector<128xf32>
    %dot_general3A_35 = arith.constant dense<0.000000e+00> : vector<128x128xf32>
    %dot_general3A_36 = tpu.matmul %max3A_29, %get3A_32, %dot_general3A_35 {dimension_numbers = #tpu.dot_dimension_numbers<[1], [0], [0], [1], [0, 0, 1, 1], [], []>, transpose_lhs_hint = false} : vector<128x64xf32>, vector<64x128xf32>, vector<128x128xf32> -> vector<128x128xf32>
    %mul3A_37 = vector.broadcast %rsqrt3A : vector<128x1xf32> to vector<128x128xf32>
    %mul3A_38 = arith.mulf %mul3A_37, %dot_general3A_36 : vector<128x128xf32>
    %dot_general3A_39 = arith.constant dense<0.000000e+00> : vector<128x128xf32>
    %dot_general3A_40 = tpu.matmul %reshape3A, %mul3A_38, %dot_general3A_39 {dimension_numbers = #tpu.dot_dimension_numbers<[1], [0], [0], [1], [0, 0, 1, 1], [], []>, precision = #tpu.contract_precision<fp32>, transpose_lhs_hint = false} : vector<128x128xf32>, vector<128x128xf32>, vector<128x128xf32> -> vector<128x128xf32>
    %add3A_41 = arith.addf %dot_general3A_40, %mul3A_38 : vector<128x128xf32>
    %mul3A_42 = vector.broadcast %rsqrt3A : vector<128x1xf32> to vector<128x128xf32>
    %mul3A_43 = arith.mulf %mul3A_42, %add3A_41 : vector<128x128xf32>
    %broadcast_in_dim3A_44 = vector.shape_cast %get3A_34 : vector<128xf32> to vector<1x128xf32>
    %add3A_45 = vector.broadcast %broadcast_in_dim3A_44 : vector<1x128xf32> to vector<128x128xf32>
    %add3A_46 = arith.addf %mul3A_43, %add3A_45 : vector<128x128xf32>
    %max3A_47 = arith.constant 0.000000e+00 : f32
    %max3A_48 = vector.broadcast %max3A_47 : f32 to vector<128x128xf32>
    %max3A_49 = arith.maximumf %add3A_46, %max3A_48 : vector<128x128xf32>
    %get3A_50 = arith.constant 0 : index
    %get3A_51 = arith.constant 0 : index
    %get3A_52 = vector.load %arg6[%get3A_50, %get3A_51] : memref<128x256xf32, #tpu.memory_space<vmem>>, vector<128x256xf32>
    %get3A_53 = arith.constant 0 : index
    %get3A_54 = vector.load %arg7[%get3A_53] : memref<256xf32, #tpu.memory_space<vmem>>, vector<256xf32>
    %dot_general3A_55 = arith.constant dense<0.000000e+00> : vector<128x256xf32>
    %dot_general3A_56 = tpu.matmul %max3A_49, %get3A_52, %dot_general3A_55 {dimension_numbers = #tpu.dot_dimension_numbers<[1], [0], [0], [1], [0, 0, 1, 1], [], []>, transpose_lhs_hint = false} : vector<128x128xf32>, vector<128x256xf32>, vector<128x256xf32> -> vector<128x256xf32>
    %mul3A_57 = vector.broadcast %rsqrt3A : vector<128x1xf32> to vector<128x256xf32>
    %mul3A_58 = arith.mulf %mul3A_57, %dot_general3A_56 : vector<128x256xf32>
    %dot_general3A_59 = arith.constant dense<0.000000e+00> : vector<128x256xf32>
    %dot_general3A_60 = tpu.matmul %reshape3A, %mul3A_58, %dot_general3A_59 {dimension_numbers = #tpu.dot_dimension_numbers<[1], [0], [0], [1], [0, 0, 1, 1], [], []>, precision = #tpu.contract_precision<fp32>, transpose_lhs_hint = false} : vector<128x128xf32>, vector<128x256xf32>, vector<128x256xf32> -> vector<128x256xf32>
    %add3A_61 = arith.addf %dot_general3A_60, %mul3A_58 : vector<128x256xf32>
    %mul3A_62 = vector.broadcast %rsqrt3A : vector<128x1xf32> to vector<128x256xf32>
    %mul3A_63 = arith.mulf %mul3A_62, %add3A_61 : vector<128x256xf32>
    %broadcast_in_dim3A_64 = vector.shape_cast %get3A_54 : vector<256xf32> to vector<1x256xf32>
    %add3A_65 = vector.broadcast %broadcast_in_dim3A_64 : vector<1x256xf32> to vector<128x256xf32>
    %add3A_66 = arith.addf %mul3A_63, %add3A_65 : vector<128x256xf32>
    %max3A_67 = arith.constant 0.000000e+00 : f32
    %max3A_68 = vector.broadcast %max3A_67 : f32 to vector<128x256xf32>
    %max3A_69 = arith.maximumf %add3A_66, %max3A_68 : vector<128x256xf32>
    %iota3A = tpu.iota {dimensions = array<i32: 0>} : vector<128x1xi32>
    %lt3A = arith.constant 100 : i32
    %lt3A_70 = vector.broadcast %lt3A : i32 to vector<128x1xi32>
    %lt3A_71 = arith.cmpi slt, %iota3A, %lt3A_70 : vector<128x1xi32>
    %convert_element_type3A = arith.extui %lt3A_71 : vector<128x1xi1> to vector<128x1xi32>
    %convert_element_type3A_72 = arith.sitofp %convert_element_type3A : vector<128x1xi32> to vector<128x1xf32>
    %mul3A_73 = vector.broadcast %convert_element_type3A_72 : vector<128x1xf32> to vector<128x256xf32>
    %mul3A_74 = arith.mulf %max3A_69, %mul3A_73 : vector<128x256xf32>
    %reduce_sum3A_75 = arith.constant dense<0.000000e+00> : vector<256xf32>
    %reduce_sum3A_76 = vector.multi_reduction <add>, %mul3A_74, %reduce_sum3A_75 [0] : vector<128x256xf32> to vector<256xf32>
    %broadcast_in_dim3A_77 = vector.shape_cast %reduce_sum3A_76 : vector<256xf32> to vector<1x256xf32>
    %mul3A_78 = arith.constant 0.00999999977 : f32
    %mul3A_79 = vector.broadcast %mul3A_78 : f32 to vector<1x256xf32>
    %mul3A_80 = arith.mulf %broadcast_in_dim3A_77, %mul3A_79 : vector<1x256xf32>
    %sub3A = vector.broadcast %mul3A_80 : vector<1x256xf32> to vector<128x256xf32>
    %sub3A_81 = arith.subf %max3A_69, %sub3A : vector<128x256xf32>
    %mul3A_82 = arith.mulf %sub3A_81, %sub3A_81 : vector<128x256xf32>
    %mul3A_83 = vector.broadcast %convert_element_type3A_72 : vector<128x1xf32> to vector<128x256xf32>
    %mul3A_84 = arith.mulf %mul3A_82, %mul3A_83 : vector<128x256xf32>
    %reduce_sum3A_85 = arith.constant dense<0.000000e+00> : vector<256xf32>
    %reduce_sum3A_86 = vector.multi_reduction <add>, %mul3A_84, %reduce_sum3A_85 [0] : vector<128x256xf32> to vector<256xf32>
    %broadcast_in_dim3A_87 = vector.shape_cast %reduce_sum3A_86 : vector<256xf32> to vector<1x256xf32>
    %mul3A_88 = arith.constant 0.00999999977 : f32
    %mul3A_89 = vector.broadcast %mul3A_88 : f32 to vector<1x256xf32>
    %mul3A_90 = arith.mulf %broadcast_in_dim3A_87, %mul3A_89 : vector<1x256xf32>
    %add3A_91 = arith.constant 9.99999974E-6 : f32
    %add3A_92 = vector.broadcast %add3A_91 : f32 to vector<1x256xf32>
    %add3A_93 = arith.addf %mul3A_90, %add3A_92 : vector<1x256xf32>
    %rsqrt3A_94 = math.rsqrt %add3A_93 : vector<1x256xf32>
    %mul3A_95 = vector.broadcast %rsqrt3A_94 : vector<1x256xf32> to vector<128x256xf32>
    %mul3A_96 = arith.mulf %sub3A_81, %mul3A_95 : vector<128x256xf32>
    %get3A_97 = arith.constant 0 : index
    %get3A_98 = vector.load %arg8[%get3A_97] : memref<256xf32, #tpu.memory_space<vmem>>, vector<256xf32>
    %broadcast_in_dim3A_99 = vector.shape_cast %get3A_98 : vector<256xf32> to vector<1x256xf32>
    %mul3A_100 = vector.broadcast %broadcast_in_dim3A_99 : vector<1x256xf32> to vector<128x256xf32>
    %mul3A_101 = arith.mulf %mul3A_96, %mul3A_100 : vector<128x256xf32>
    %get3A_102 = arith.constant 0 : index
    %get3A_103 = vector.load %arg9[%get3A_102] : memref<256xf32, #tpu.memory_space<vmem>>, vector<256xf32>
    %broadcast_in_dim3A_104 = vector.shape_cast %get3A_103 : vector<256xf32> to vector<1x256xf32>
    %add3A_105 = vector.broadcast %broadcast_in_dim3A_104 : vector<1x256xf32> to vector<128x256xf32>
    %add3A_106 = arith.addf %mul3A_101, %add3A_105 : vector<128x256xf32>
    %get3A_107 = arith.constant 0 : index
    %get3A_108 = arith.constant 0 : index
    %get3A_109 = vector.load %arg10[%get3A_107, %get3A_108] : memref<256x10xf32, #tpu.memory_space<vmem>>, vector<256x10xf32>
    %dot_general3A_110 = arith.constant dense<0.000000e+00> : vector<128x10xf32>
    %dot_general3A_111 = tpu.matmul %add3A_106, %get3A_109, %dot_general3A_110 {dimension_numbers = #tpu.dot_dimension_numbers<[1], [0], [0], [1], [0, 0, 1, 1], [], []>, transpose_lhs_hint = false} : vector<128x256xf32>, vector<256x10xf32>, vector<128x10xf32> -> vector<128x10xf32>
    %get3A_112 = arith.constant 0 : index
    %get3A_113 = vector.load %arg11[%get3A_112] : memref<10xf32, #tpu.memory_space<vmem>>, vector<10xf32>
    %broadcast_in_dim3A_114 = vector.shape_cast %get3A_113 : vector<10xf32> to vector<1x10xf32>
    %add3A_115 = vector.broadcast %broadcast_in_dim3A_114 : vector<1x10xf32> to vector<128x10xf32>
    %add3A_116 = arith.addf %dot_general3A_111, %add3A_115 : vector<128x10xf32>
    %max3A_117 = arith.constant 0.000000e+00 : f32
    %max3A_118 = vector.broadcast %max3A_117 : f32 to vector<128x10xf32>
    %max3A_119 = arith.maximumf %add3A_116, %max3A_118 : vector<128x10xf32>
    %iota3A_120 = tpu.iota {dimensions = array<i32: 0>} : vector<1000x100xi32>
    %iota3A_121 = tpu.iota {dimensions = array<i32: 1>} : vector<1000x100xi32>
    %mul3A_122 = arith.constant 10 : i32
    %mul3A_123 = vector.broadcast %mul3A_122 : i32 to vector<1000x100xi32>
    %mul3A_124 = arith.muli %mul3A_123, %iota3A_121 : vector<1000x100xi32>
    %sub3A_125 = arith.subi %iota3A_120, %mul3A_124 : vector<1000x100xi32>
    %ge3A = arith.constant 0 : i32
    %ge3A_126 = vector.broadcast %ge3A : i32 to vector<1000x100xi32>
    %ge3A_127 = arith.cmpi sge, %sub3A_125, %ge3A_126 : vector<1000x100xi32>
    %lt3A_128 = arith.constant 10 : i32
    %lt3A_129 = vector.broadcast %lt3A_128 : i32 to vector<1000x100xi32>
    %lt3A_130 = arith.cmpi slt, %sub3A_125, %lt3A_129 : vector<1000x100xi32>
    %and3A = arith.andi %ge3A_127, %lt3A_130 : vector<1000x100xi1>
    %convert_element_type3A_131 = arith.extui %and3A : vector<1000x100xi1> to vector<1000x100xi32>
    %convert_element_type3A_132 = arith.sitofp %convert_element_type3A_131 : vector<1000x100xi32> to vector<1000x100xf32>
    %iota3A_133 = tpu.iota {dimensions = array<i32: 0>} : vector<1000x10xi32>
    %iota3A_134 = tpu.iota {dimensions = array<i32: 1>} : vector<1000x10xi32>
    %jit3A = arith.constant 10 : i32
    %eq3A = arith.constant 0 : i32
    %eq3A_135 = arith.cmpi eq, %jit3A, %eq3A : i32
    %jit3A_136 = arith.constant 1 : i32
    %select_n3A = arith.select %eq3A_135, %jit3A_136, %jit3A : i32
    %rem3A = vector.broadcast %select_n3A : i32 to vector<1000x10xi32>
    %rem3A_137 = arith.remsi %iota3A_133, %rem3A : vector<1000x10xi32>
    %ne3A = arith.constant 0 : i32
    %ne3A_138 = vector.broadcast %ne3A : i32 to vector<1000x10xi32>
    %ne3A_139 = arith.cmpi ne, %rem3A_137, %ne3A_138 : vector<1000x10xi32>
    %lt3A_140 = arith.constant 0 : i32
    %lt3A_141 = vector.broadcast %lt3A_140 : i32 to vector<1000x10xi32>
    %lt3A_142 = arith.cmpi slt, %rem3A_137, %lt3A_141 : vector<1000x10xi32>
    %lt3A_143 = arith.constant 0 : i32
    %lt3A_144 = arith.cmpi slt, %select_n3A, %lt3A_143 : i32
    %ne3A_145 = vector.broadcast %lt3A_144 : i1 to vector<1000x10xi1>
    %ne3A_146 = vector.broadcast %ne3A_145 : vector<1000x10xi1> to vector<1000x10xi1>
    %ne3A_147 = arith.xori %lt3A_142, %ne3A_146 : vector<1000x10xi1>
    %and3A_148 = arith.andi %ne3A_147, %ne3A_139 : vector<1000x10xi1>
    %add3A_149 = vector.broadcast %select_n3A : i32 to vector<1000x10xi32>
    %add3A_150 = arith.addi %rem3A_137, %add3A_149 : vector<1000x10xi32>
    %select_n3A_151 = arith.select %and3A_148, %add3A_150, %rem3A_137 : vector<1000x10xi1>, vector<1000x10xi32>
    %eq3A_152 = arith.cmpi eq, %select_n3A_151, %iota3A_134 : vector<1000x10xi32>
    %convert_element_type3A_153 = arith.extui %eq3A_152 : vector<1000x10xi1> to vector<1000x10xi32>
    %convert_element_type3A_154 = arith.sitofp %convert_element_type3A_153 : vector<1000x10xi32> to vector<1000x10xf32>
    %slice3A = vector.extract_strided_slice %max3A_119 {offsets = [0, 0], sizes = [100, 10], strides = [1, 1]} : vector<128x10xf32> to vector<100x10xf32>
    %dot_general3A_155 = arith.constant dense<0.000000e+00> : vector<1000x10xf32>
    %dot_general3A_156 = tpu.matmul %convert_element_type3A_132, %slice3A, %dot_general3A_155 {dimension_numbers = #tpu.dot_dimension_numbers<[1], [0], [0], [1], [0, 0, 1, 1], [], []>, transpose_lhs_hint = false} : vector<1000x100xf32>, vector<100x10xf32>, vector<1000x10xf32> -> vector<1000x10xf32>
    %mul3A_157 = arith.mulf %dot_general3A_156, %convert_element_type3A_154 : vector<1000x10xf32>
    %reduce_sum3A_158 = arith.constant dense<0.000000e+00> : vector<1000xf32>
    %reduce_sum3A_159 = vector.multi_reduction <add>, %mul3A_157, %reduce_sum3A_158 [1] : vector<1000x10xf32> to vector<1000xf32>
    %broadcast_in_dim3A_160 = vector.shape_cast %reduce_sum3A_159 : vector<1000xf32> to vector<1000x1xf32>
    %get3A_161 = arith.constant 0 : index
    %get3A_162 = arith.constant 0 : index
    %get3A_163 = vector.load %arg12[%get3A_161, %get3A_162] : memref<1000x128xf32, #tpu.memory_space<vmem>>, vector<1000x128xf32>
    %convert_element_type3A_164 = arith.truncf %get3A_163 : vector<1000x128xf32> to vector<1000x128xbf16>
    %convert_element_type3A_165 = arith.extf %convert_element_type3A_164 : vector<1000x128xbf16> to vector<1000x128xf32>
    %mul3A_166 = vector.broadcast %broadcast_in_dim3A_160 : vector<1000x1xf32> to vector<1000x128xf32>
    %mul3A_167 = arith.mulf %mul3A_166, %convert_element_type3A_165 : vector<1000x128xf32>
    %reduce_sum3A_168 = arith.constant dense<0.000000e+00> : vector<128xf32>
    %reduce_sum3A_169 = vector.multi_reduction <add>, %mul3A_167, %reduce_sum3A_168 [0] : vector<1000x128xf32> to vector<128xf32>
    %broadcast_in_dim3A_170 = vector.shape_cast %reduce_sum3A_169 : vector<128xf32> to vector<1x128xf32>
    %squeeze3A = vector.shape_cast %broadcast_in_dim3A_170 : vector<1x128xf32> to vector<128xf32>
    %get3A_171 = arith.constant 0 : index
    %get3A_172 = vector.load %arg13[%get3A_171] : memref<128xf32, #tpu.memory_space<vmem>>, vector<128xf32>
    %add3A_173 = arith.addf %squeeze3A, %get3A_172 : vector<128xf32>
    %swap3A = arith.constant 0 : index
    %swap3A_174 = vector.load %arg14[%swap3A] : memref<128xf32, #tpu.memory_space<vmem>>, vector<128xf32>
    tpu.vector_store %arg14[%swap3A], %add3A_173 {strides = array<i32>} : memref<128xf32, #tpu.memory_space<vmem>>, vector<128xf32>,
    return
  }
}

</mosaic_0001>

<sc_bundles>
// kernel: kernel.4.cloned.1.call-start
scs
__scs_entry_jumppad:
0x0: {  	(pc) =	sbr.rel $0x88, $3  }
0x1: {  	(tag) =	ssettag $0x0;
	lr =	simm.s32 $0x1  }
0x2: {  	[smem:$0x3F92] =	sst lr;
	_ =	strace $0xD0000000  }
0x3: {  	_ = 	snop  }
0x4: {  	_ = 	snop  }
0x5: {  	_ = 	snop  }
0x6: {  	_ = 	snop  }
0x7: {  	_ = 	snop  }
__scs_overlays_trampoline_lowered:
0x8: {  	[smem:$0x3FA1] =	sst s0  }
0x9: {  	[smem:$0x3FA2] =	sst s1  }
0xa: {  	[smem:$0x3FA3] =	sst s2  }
0xb: {  	[smem:$0x3FA4] =	sst s3  }
0xc: {  	[smem:$0x3FA5] =	sst s4  }
0xd: {  	[smem:$0x3FA6] =	sst s5  }
0xe: {  	[smem:$0x3FA7] =	sst s6  }
0xf: {  	[smem:$0x3FA8] =	sst s7  }
0x10: {  	[smem:$0x3FA9] =	sst s8  }
0x11: {  	[smem:$0x3FAA] =	sst s9;
	s0 =	simm.s32 @!p0 $0x0  }
0x12: {  	s1 =	sld [smem:$0x3F90];
	s0 =	simm.s32 @p0 $0x1  }
0x13: {  	[smem:$0x3FAB] =	sst s0;
	s0 =	simm.s32 @!p1 $0x0  }
0x14: {  	s2 =	sld [smem:$0x3F8F];
	s0 =	simm.s32 @p1 $0x1  }
0x15: {  	[smem:$0x3FAC] =	sst s0;
	s0 =	simm.s32 @!p2 $0x0  }
0x16: {  	s3 =	sld [smem:$0x3FDB];
	s0 =	simm.s32 @p2 $0x1  }
0x17: {  	s4 =	simm.s32 $0x1BF5;
	[smem:$0x3FAE] =	sst s0  }
0x18: {  	s0 =	sld [smem:$0x3F91];
	_ =	swait.ge [sflag:s4], $0x0  }
0x19: {  	s7 =	sld [smem:$0x3F92]  }
0x1a: {  	s8 =	sadd.s32 $0xFFFFE003, lr  }
0x1b: {  	s9 =	sadd.s32 $0xFFFFFEF7, lr;
	s5 =	simm.s32 $0xFFFFFFFF;
	p2 =	slt.u32 s8, $0xFFFFF086  }
0x1c: {  	p1 =	slt.u32 s9, $0xF7A;
	s5 =	simm.s32 @!p2 $0x0  }
0x1d: {  	s5 =	simm.s32 @p1 $0x1;
	p0 =	seq.s32 s7, s2  }
0x1e: {  	s7 =	smul.u32 @!p0 $0xF7A, s2;
	p2 =	seq.s32 @!p0 s5, $0x0  }
0x1f: {  	s9 =	smul.u32 $0xF7A, s1;
	s8 =	simm.s32 @!p0 $0x1BF5;
	p2 =	por !p2, p0  }
0x20: {  	[sflag:s8] =	ssyncset.s32 @!p0 $0xFFFFF086;
	s6 =	sadd.s32 @!p0 s3, s7;
	s7 =	simm.s32 @!p0 $0x108  }
0x21: {  	s3 =	sadd.s32 s3, s9;
	s6 =	sadd.s32 @!p0 $0x88, s6;
	s7 =	simm.s32 @p2 $0x1082  }
0x22: {  	[simem:s7], [sflag:s8] =	dma.local @!p0 [hbm:s6], $0xF7A  }
0x23: {  	s9 =	sor.u32 $0xD0000000, s2;
	s6 =	simm.s32 $0x108;
	_ =	swait.ge @!p0 [sflag:s8], $0x0  }
0x24: {  	s3 =	sadd.s32 $0x88, s3;
	s6 =	simm.s32 @!p1 $0x1082;
	[sflag:s4] =	ssyncset.s32 $0xFFFFF086  }
0x25: {  	[simem:s6], [sflag:s4] =	dma.local [hbm:s3], $0xF7A  }
0x26: {  	[smem:$0x3F92] =	sst s1;
	(tag) =	ssettag s2;
	_ =	strace s9  }
0x27: {  	s1 =	sld [smem:$0x3FA2]  }
0x28: {  	s2 =	sld [smem:$0x3FA3]  }
0x29: {  	s4 =	sld [smem:$0x3FA5]  }
0x2a: {  	p0 =	seq.s32 s5, $0x0;
	s5 =	sld [smem:$0x3FA6]  }
0x2b: {  	s6 =	sld [smem:$0x3FA7]  }
0x2c: {  	s7 =	sld [smem:$0x3FA8]  }
0x2d: {  	s3 =	simm.s32 $0x108;
	s8 =	sld [smem:$0x3FA9]  }
0x2e: {  	s3 =	simm.s32 @!p0 $0x1082;
	s9 =	sld [smem:$0x3FAA]  }
0x2f: {  	lr =	sadd.s32 s0, s3;
	s0 =	sld [smem:$0x3FA1]  }
0x30: {  	s3 =	sld [smem:$0x3FA4]  }
0x31: {  	[smem:$0x3FAD] =	sst s10  }
0x32: {  	s10 =	sld [smem:$0x3FAB];
	_ =	sdelay $0x3  }
0x33: {  	p0 =	seq.s32 s10, $0x1;
	s10 =	sld [smem:$0x3FAD];
	_ =	sdelay $0x3  }
0x34: {  	[smem:$0x3FAD] =	sst s10  }
0x35: {  	s10 =	sld [smem:$0x3FAC];
	_ =	sdelay $0x3  }
0x36: {  	p1 =	seq.s32 s10, $0x1;
	s10 =	sld [smem:$0x3FAD];
	_ =	sdelay $0x3  }
0x37: {  	[smem:$0x3FAD] =	sst s10  }
0x38: {  	s10 =	sld [smem:$0x3FAE]  }
0x39: {  	_ = 	snop;
	(pc) =	sbr.ind lr, $3  }
0x3a: {  	_ = 	snop  }
0x3b: {  	_ = 	snop  }
0x3c: {  	p2 =	seq.s32 s10, $0x1;
	s10 =	sld [smem:$0x3FAD]  }
0x3d: {  	_ =	shalt  }
0x3e: {  	_ =	shalt  }
0x3f: {  	_ =	shalt  }
0x40: {  	_ =	shalt  }
0x41: {  	_ =	shalt  }
0x42: {  	_ =	shalt  }
0x43: {  	_ =	shalt  }
0x44: {  	_ =	shalt  }
0x45: {  	_ =	shalt  }
0x46: {  	_ =	shalt  }
0x47: {  	_ =	shalt  }
0x48: {  	_ =	shalt  }
0x49: {  	_ =	shalt  }
0x4a: {  	_ =	shalt  }
0x4b: {  	_ =	shalt  }
0x4c: {  	_ =	shalt  }
0x4d: {  	_ =	shalt  }
0x4e: {  	_ =	shalt  }
0x4f: {  	_ =	shalt  }
0x50: {  	_ =	shalt  }
0x51: {  	_ =	shalt  }
0x52: {  	_ =	shalt  }
0x53: {  	_ =	shalt  }
0x54: {  	_ =	shalt  }
0x55: {  	_ =	shalt  }
0x56: {  	_ =	shalt  }
0x57: {  	_ =	shalt  }
0x58: {  	_ =	shalt  }
0x59: {  	_ =	shalt  }
0x5a: {  	_ =	shalt  }
0x5b: {  	_ =	shalt  }
0x5c: {  	_ =	shalt  }
0x5d: {  	_ =	shalt  }
0x5e: {  	_ =	shalt  }
0x5f: {  	_ =	shalt  }
0x60: {  	_ =	shalt  }
0x61: {  	_ =	shalt  }
0x62: {  	_ =	shalt  }
0x63: {  	_ =	shalt  }
0x64: {  	_ =	shalt  }
0x65: {  	_ =	shalt  }
0x66: {  	_ =	shalt  }
0x67: {  	_ =	shalt  }
0x68: {  	_ =	shalt  }
0x69: {  	_ =	shalt  }
0x6a: {  	_ =	shalt  }
0x6b: {  	_ =	shalt  }
0x6c: {  	_ =	shalt  }
0x6d: {  	_ =	shalt  }
0x6e: {  	_ =	shalt  }
0x6f: {  	_ =	shalt  }
0x70: {  	_ =	shalt  }
0x71: {  	_ =	shalt  }
0x72: {  	_ =	shalt  }
0x73: {  	_ =	shalt  }
0x74: {  	_ =	shalt  }
0x75: {  	_ =	shalt  }
0x76: {  	_ =	shalt  }
0x77: {  	_ =	shalt  }
0x78: {  	_ =	shalt  }
0x79: {  	_ =	shalt  }
0x7a: {  	_ =	shalt  }
0x7b: {  	_ =	shalt  }
0x7c: {  	_ =	shalt  }
0x7d: {  	_ =	shalt  }
0x7e: {  	_ =	shalt  }
0x7f: {  	_ =	shalt  }
0x80: {  	_ =	shalt  }
0x81: {  	_ =	shalt  }
0x82: {  	_ =	shalt  }
0x83: {  	_ =	shalt  }
0x84: {  	_ =	shalt  }
0x85: {  	_ =	shalt  }
0x86: {  	_ =	shalt  }
0x87: {  	_ =	shalt  }
.Lfunc_end0:
.L_simem_size_0:
called_computation_lowered:
.L_overlay_start_0:
0x88: {  	s0 =	sld [smem:$0x3FD9]  }
0x89: {  	s1 =	sld [smem:$0x3FFE];
	_ =	sdelay $0x3  }
0x8a: {  	s0 =	sadd.s32 s1, s0  }
0x8b: {  	[smem:$0x3FB9] =	sst s0  }
0x8c: {  	_ = 	snop  }
0x8d: {  	(tm) =	ssettm $0x1  }
0x8e: {  	s15 =	sld [smem:$0x3FFB];
	_ =	sdelay $0x3  }
0x8f: {  	_ =	strace s15  }
0x90: {  	s0 =	sld [smem:$0x3FFC];
	_ =	sdelay $0x3  }
0x91: {  	_ =	strace s0  }
0x92: {  	s0 =	sld [smem:$0x3FFD];
	_ =	sdelay $0x3  }
0x93: {  	_ =	strace s0  }
0x94: {  	_ =	strace $0x8FFFFFFF  }
0x95: {  	s16 =	sld [smem:$0x3FDB];
	_ =	sdelay $0x1  }
0x96: {  	s17 =	simm.s32 $_scs_section_size  }
0x97: {  	s2 =	simm.s32 $_size__tile_overlayer_lowered;
	s3 =	simm.s32 $_tile_overlayer_lowered  }
0x98: {  	s20 =	simm.s32 $0x1BFF;
	s19 =	sshll.u32 s3, $0x1;
	s0 =	sadd.s32 s17, s16  }
0x99: {  	s4 =	simm.s32 $0x0;
	s18 =	sshll.u32 s2, $0x1;
	s2 =	sadd.s32 s19, s0  }
0x9a: {  	[timem:s4], [sflag:s20] =	dma.local [hbm:s2], s18  }
0x9b: {  	_ =	swait.ge [sflag:s20], s18  }
0x9c: {  	s1 =	ssub.s32 $0x0, s18;
	[sflag:s20] =	ssyncset.done $0x0  }
0x9d: {  	[sflag:s20] =	ssyncadd.s32 s1;
	_ =	sdelay $0x1  }
0x9e: {  	s21 =	simm.s32 $0x1B8B  }
0x9f: {  	_ =	swait.ge [sflag:s21], $0x1  }
0xa0: {  	[sflag:s21] =	ssyncset.done $0x0  }
0xa1: {  	s23 =	simm.s32 $0x1B8E;
	s22 =	sld [smem:$0x3FFE];
	[sflag:s21] =	ssyncadd.s32 $0xFFFFFFFF  }
0xa2: {  	s24 =	simm.s32 $execute0_lowered;
	[smem:$0x3FD2] =	sst s23  }
0xa3: {  	s2 =	sshll.u32 s24, $0x1;
	_ =	strace $0x80000046;
	[dreg:$0x1] =	wrdreg $0xFFFFFFFF  }
0xa4: {  	s25 =	simm.s32 $_size_execute0_lowered;
	s0 =	sadd.s32 s0, s2;
	[dreg:$0x0] =	wrdreg $0x0  }
0xa5: {  	s2 =	sshll.u32 s25, $0x1;
	[dreg:$0x2] =	wrdreg s0  }
0xa6: {  	[dreg:$0x3] =	wrdreg s2  }
0xa7: {  	[dreg:$0x4] =	wrdreg $0xC0  }
0xa8: {  	_ =	task [dreg:s4], $0x5FFFF  }
0xa9: {  	[dreg:$0x1] =	wrdreg $0xFFFFFFFF  }
0xaa: {  	[dreg:$0x0] =	wrdreg $0x60  }
0xab: {  	[dreg:$0x2] =	wrdreg s22  }
0xac: {  	[dreg:$0x3] =	wrdreg $0xC000  }
0xad: {  	[dreg:$0x4] =	wrdreg $0x9  }
0xae: {  	_ =	task.clear_ibuf [dreg:s4], $0x5FFFF;
	_ =	strace $0x90000046  }
0xaf: {  	s26 =	simm.s32 $0x9;
	_ =	strace $0x80000048  }
0xb0: {  	_ =	swait.ge [sflag:s26], $0x1  }
0xb1: {  	[sflag:s26] =	ssyncadd.s32 $0xFFFFFFFF  }
0xb2: {  	_ =	strace $0x90000048  }
0xb3: {  	_ =	sfence  }
0xb4: {  	s28 =	sld [smem:$0x0];
	_ =	sdelay $0x1  }
0xb5: {  	s29 =	srdreg.scid  }
0xb6: {  	s30 =	sshll.u32 s29, $0xD;
	s31 =	sshrl.u32 s29, $0x2  }
0xb7: {  	s1 =	sand.u32 $0x1, s29;
	s2 =	sand.u32 $0x4000, s30;
	s0 =	sadd.s32 s31, s28  }
0xb8: {  	s1 =	sor.u32 s2, s1;
	s0 =	sshll.u32 s0, $0x11  }
0xb9: {  	s0 =	sor.u32 s0, s1  }
0xba: {  	s0 =	sadd.s32 $0x8F2B, s0  }
0xbb: {  	[sflag:s0] =	ssyncadd.remote.s32 $0x1  }
0xbc: {  	_ =	sfence.sel $0xFFFF  }
0xbd: {  	[dreg:$0x0] =	wrdreg $0xFFFFFFFF;
	(pc) =	sbr.abs _section_cstart, $3  }
0xbe: {  	[dreg:$0x1] =	wrdreg $0xFFFFFFFF  }
0xbf: {  	_ =	task.clear_ibuf [dreg:s4], $0x2FFFF;
	_ =	strace $0x9FFFFFFF  }
0xc0: {  	(tm) =	ssettm $0x7FFFFFFF  }
0xc1: {  	_ =	shalt  }
tec
execute0_lowered:
.L_overlay_start_1:
0x0: {  	(tag) =	ssettag $0x1  }
0x1: {  	s6 =	rddreg [dreg:$0x0]  }
0x2: {  	s1 =	rddreg [dreg:$0x1];
	s3 =	simm.s32 $0x0  }
0x3: {  	v0 =	vimm.f32 $0.0e+00;
	[smem:$0x7FF] =	sst s3  }
0x4: {  	s0 =	rddreg [dreg:$0x2];
	_ =	strace $0x80000047;
	[tilespmem:$0x800] =	vst v0  }
0x5: {  	[tilespmem:$0x810] =	vst v0  }
0x6: {  	[tilespmem:$0x820] =	vst v0  }
0x7: {  	[tilespmem:$0x830] =	vst v0  }
0x8: {  	[tilespmem:$0x840] =	vst v0  }
0x9: {  	[tilespmem:$0x850] =	vst v0  }
0xa: {  	[tilespmem:$0x860] =	vst v0  }
0xb: {  	[tilespmem:$0x870] =	vst v0  }
0xc: {  	[tilespmem:$0x880] =	vst v0  }
0xd: {  	[tilespmem:$0x890] =	vst v0  }
0xe: {  	[tilespmem:$0x8A0] =	vst v0  }
0xf: {  	[tilespmem:$0x8B0] =	vst v0  }
0x10: {  	[tilespmem:$0x8C0] =	vst v0  }
0x11: {  	[tilespmem:$0x8D0] =	vst v0  }
0x12: {  	[tilespmem:$0x8E0] =	vst v0  }
0x13: {  	[tilespmem:$0x8F0] =	vst v0  }
0x14: {  	[tilespmem:$0x900] =	vst v0  }
0x15: {  	[tilespmem:$0x910] =	vst v0  }
0x16: {  	[tilespmem:$0x920] =	vst v0  }
0x17: {  	[tilespmem:$0x930] =	vst v0  }
0x18: {  	[tilespmem:$0x940] =	vst v0  }
0x19: {  	[tilespmem:$0x950] =	vst v0  }
0x1a: {  	[tilespmem:$0x960] =	vst v0  }
0x1b: {  	[tilespmem:$0x970] =	vst v0  }
0x1c: {  	[tilespmem:$0x980] =	vst v0  }
0x1d: {  	[tilespmem:$0x990] =	vst v0  }
0x1e: {  	[tilespmem:$0x9A0] =	vst v0  }
0x1f: {  	[tilespmem:$0x9B0] =	vst v0  }
0x20: {  	[tilespmem:$0x9C0] =	vst v0  }
0x21: {  	[tilespmem:$0x9D0] =	vst v0  }
0x22: {  	[tilespmem:$0x9E0] =	vst v0  }
0x23: {  	[tilespmem:$0x9F0] =	vst v0  }
0x24: {  	[tilespmem:$0xA00] =	vst v0  }
0x25: {  	[tilespmem:$0xA10] =	vst v0  }
0x26: {  	[tilespmem:$0xA20] =	vst v0  }
0x27: {  	[tilespmem:$0xA30] =	vst v0  }
0x28: {  	[tilespmem:$0xA40] =	vst v0  }
0x29: {  	[tilespmem:$0xA50] =	vst v0  }
0x2a: {  	[tilespmem:$0xA60] =	vst v0  }
0x2b: {  	[tilespmem:$0xA70] =	vst v0  }
0x2c: {  	[tilespmem:$0xA80] =	vst v0  }
0x2d: {  	[tilespmem:$0xA90] =	vst v0  }
0x2e: {  	[tilespmem:$0xAA0] =	vst v0  }
0x2f: {  	[tilespmem:$0xAB0] =	vst v0  }
0x30: {  	[tilespmem:$0xAC0] =	vst v0  }
0x31: {  	[tilespmem:$0xAD0] =	vst v0  }
0x32: {  	[tilespmem:$0xAE0] =	vst v0  }
0x33: {  	[tilespmem:$0xAF0] =	vst v0  }
0x34: {  	[tilespmem:$0xB00] =	vst v0  }
0x35: {  	[tilespmem:$0xB10] =	vst v0  }
0x36: {  	[tilespmem:$0xB20] =	vst v0  }
0x37: {  	[tilespmem:$0xB30] =	vst v0  }
0x38: {  	[tilespmem:$0xB40] =	vst v0  }
0x39: {  	[tilespmem:$0xB50] =	vst v0  }
0x3a: {  	[tilespmem:$0xB60] =	vst v0  }
0x3b: {  	[tilespmem:$0xB70] =	vst v0  }
0x3c: {  	[tilespmem:$0xB80] =	vst v0  }
0x3d: {  	[tilespmem:$0xB90] =	vst v0  }
0x3e: {  	[tilespmem:$0xBA0] =	vst v0  }
0x3f: {  	[tilespmem:$0xBB0] =	vst v0  }
0x40: {  	[tilespmem:$0xBC0] =	vst v0  }
0x41: {  	s2 =	stileid.u32;
	[tilespmem:$0xBD0] =	vst v0  }
0x42: {  	s9 =	sshll.u32 s2, $0xA;
	[tilespmem:$0xBE0] =	vst v0  }
0x43: {  	s5 =	simm.s32 $0x800;
	s4 =	sadd.s32 s9, s1;
	[tilespmem:$0xBF0] =	vst v0  }
0x44: {  	[spmem:s4] =	stream.linear.scatter [tilespmem:s5], [sflag:$0x2], $0x400, $0x38;
	[tilespmem:$0x1000] =	vst v63  }
0x45: {  	s5 =	simm.s32 $0x2  }
0x46: {  	_ =	swait.ge [sflag:s5], $0x400  }
0x47: {  	s7 =	sadd.s32 $0x1C00, s6;
	s10 =	sshll.u32 s2, $0x8;
	[sflag:s5] =	ssyncset.done $0x0  }
0x48: {  	s11 =	sshll.u32 s2, $0x5;
	s8 =	sshrl.u32 s10, $0x3;
	[sflag:s5] =	ssyncadd.s32 $0xFFFFFC00  }
0x49: {  	s12 =	sadd.s32 s7, s11;
	s8 =	sadd.s32 s7, s8;
	[bflag:$0x0] =	sbarrier.arrive $0xFFFF  }
0x4a: {  	[tilespmem:s3], [sflag:$0x1] =	stream.linear.gather [hbm4b:s12+s3], $0x100, $0x38;
	[tilespmem:$0x1000] =	vst v63  }
0x4b: {  	s13 =	simm.s32 $0x200;
	s8 =	sadd.s32 $0x320, s8;
	s12 =	sadd.s32 $0x2400, s6  }
0x4c: {  	[tilespmem:s13], [sflag:$0x1] =	stream.linear.gather [hbm4b:s8+s3], $0x100, $0x38;
	[tilespmem:$0x1000] =	vst v63  }
0x4d: {  	s19 =	simm.s32 $0x400;
	p0 =	sgt.u32 s2, $0x8;
	s18 =	sadd.s32 s12, s11  }
0x4e: {  	[tilespmem:s19], [sflag:$0x1] =	stream.linear.gather [hbm4b:s18+s3], $0x100, $0x38;
	[tilespmem:$0x1000] =	vst v63  }
0x4f: {  	s13 =	simm.s32 @!p0 $0x100;
	s3 =	sshrl.u32 @!p0 s10, $0x3;
	s10 =	sor.u32 @!p0 $0x200, s11  }
0x50: {  	s11 =	simm.s32 @!p0 $0x0;
	s3 =	sadd.s32 @!p0 s7, s3;
	s7 =	sadd.s32 @!p0 s7, s10  }
0x51: {  	[tilespmem:s13], [sflag:$0x1] =	stream.linear.gather @!p0 [hbm4b:s7+s11], $0x100, $0x38;
	[tilespmem:$0x1000] =	vst v63  }
0x52: {  	s3 =	sadd.s32 @!p0 $0x520, s3;
	s7 =	simm.s32 @!p0 $0x300  }
0x53: {  	[tilespmem:s7], [sflag:$0x1] =	stream.linear.gather @!p0 [hbm4b:s3+s11], $0x100, $0x38;
	[tilespmem:$0x1000] =	vst v63  }
0x54: {  	s3 =	sadd.s32 @!p0 s12, s10;
	s7 =	simm.s32 @!p0 $0x500  }
0x55: {  	[tilespmem:s7], [sflag:$0x1] =	stream.linear.gather @!p0 [hbm4b:s3+s11], $0x100, $0x38;
	[tilespmem:$0x1000] =	vst v63  }
0x56: {  	s3 =	simm.s32 $0x1  }
0x57: {  	_ =	swait.ge [sflag:s3], $0x100  }
0x58: {  	[sflag:s3] =	ssyncset.done $0x0  }
0x59: {  	[sflag:s3] =	ssyncadd.s32 $0xFFFFFF00  }
0x5a: {  	_ =	swait.ge [sflag:s3], $0x100  }
0x5b: {  	[sflag:s3] =	ssyncset.done $0x0  }
0x5c: {  	[sflag:s3] =	ssyncadd.s32 $0xFFFFFF00  }
0x5d: {  	_ =	swait.ge [sflag:s3], $0x100  }
0x5e: {  	[sflag:s3] =	ssyncset.done $0x0  }
0x5f: {  	[sflag:s3] =	ssyncadd.s32 $0xFFFFFF00  }
0x60: {  	v16 =	vld [tilespmem:$0x200]  }
0x61: {  	v1 =	vld [tilespmem:$0x0]  }
0x62: {  	v2 =	vld [tilespmem:$0x210]  }
0x63: {  	v3 =	vld [tilespmem:$0x10]  }
0x64: {  	v4 =	vld [tilespmem:$0x220]  }
0x65: {  	v5 =	vld [tilespmem:$0x20]  }
0x66: {  	v6 =	vld [tilespmem:$0x230]  }
0x67: {  	v7 =	vld [tilespmem:$0x30]  }
0x68: {  	v8 =	vld [tilespmem:$0x240]  }
0x69: {  	v9 =	vld [tilespmem:$0x40]  }
0x6a: {  	v10 =	vld [tilespmem:$0x250]  }
0x6b: {  	v11 =	vld [tilespmem:$0x50]  }
0x6c: {  	v12 =	vld [tilespmem:$0x260];
	v0 =	vshll.u32 v16, $0x7  }
0x6d: {  	v18 =	vld [tilespmem:$0x60];
	v17 =	vshll.u32 v2, $0x7;
	v0 =	vadd.s32 v1, v0  }
0x6e: {  	v21 =	vld [tilespmem:$0x270];
	v20 =	vshll.u32 v4, $0x7;
	v19 =	vadd.s32 v3, v17;
	[tilespmem:$0x600] =	vst v0  }
0x6f: {  	v24 =	vld [tilespmem:$0x70];
	v23 =	vshll.u32 v6, $0x7;
	v22 =	vadd.s32 v5, v20;
	[tilespmem:$0x610] =	vst v19  }
0x70: {  	v26 =	vshll.u32 v8, $0x7;
	v25 =	vadd.s32 v7, v23;
	[tilespmem:$0x620] =	vst v22  }
0x71: {  	v28 =	vshll.u32 v10, $0x7;
	v27 =	vadd.s32 v9, v26;
	[tilespmem:$0x630] =	vst v25  }
0x72: {  	v30 =	vshll.u32 v12, $0x7;
	v29 =	vadd.s32 v11, v28;
	[tilespmem:$0x640] =	vst v27  }
0x73: {  	v32 =	vshll.u32 v21, $0x7;
	v31 =	vadd.s32 v18, v30;
	[tilespmem:$0x650] =	vst v29  }
0x74: {  	v33 =	vadd.s32 v24, v32;
	[tilespmem:$0x660] =	vst v31  }
0x75: {  	s20 =	simm.s32 $0x600;
	s7 =	simm.s32 $0x80;
	[tilespmem:$0x670] =	vst v33  }
0x76: {  	[spmem:s1] =	stream.indirect.scatter.add.f32 [tilespmem:s19], [sflag:$0x2], $0x1, s20, s7, $0xb8;
	[tilespmem:$0x1000] =	vst v63  }
0x77: {  	_ =	swait.ge [sflag:s5], $0x80  }
0x78: {  	[sflag:s5] =	ssyncset.done $0x0  }
0x79: {  	[sflag:s5] =	ssyncadd.s32 $0xFFFFFF80  }
0x7a: {  	v34 =	vld [tilespmem:$0x280]  }
0x7b: {  	v35 =	vld [tilespmem:$0x80]  }
0x7c: {  	v36 =	vld [tilespmem:$0x290]  }
0x7d: {  	v37 =	vld [tilespmem:$0x90]  }
0x7e: {  	v38 =	vld [tilespmem:$0x2A0]  }
0x7f: {  	v39 =	vld [tilespmem:$0xA0]  }
0x80: {  	v40 =	vld [tilespmem:$0x2B0]  }
0x81: {  	v41 =	vld [tilespmem:$0xB0]  }
0x82: {  	v42 =	vld [tilespmem:$0x2C0]  }
0x83: {  	v43 =	vld [tilespmem:$0xC0]  }
0x84: {  	v44 =	vld [tilespmem:$0x2D0]  }
0x85: {  	v45 =	vld [tilespmem:$0xD0]  }
0x86: {  	s29 =	simm.s32 $0x680;
	v46 =	vld [tilespmem:$0x2E0];
	v0 =	vshll.u32 v34, $0x7  }
0x87: {  	s21 =	sadd.s32 $0x2800, s6;
	s23 =	sshll.u32 s2, $0x7;
	s15 =	sor.u32 $0x80, s9;
	v48 =	vld [tilespmem:$0xE0];
	v47 =	vshll.u32 v36, $0x7;
	v0 =	vadd.s32 v35, v0  }
0x88: {  	s16 =	sor.u32 $0x100, s9;
	s17 =	sor.u32 $0x180, s9;
	s22 =	sor.u32 $0x280, s9;
	v51 =	vld [tilespmem:$0x2F0];
	v50 =	vshll.u32 v38, $0x7;
	v49 =	vadd.s32 v37, v47;
	[tilespmem:$0x680] =	vst v0  }
0x89: {  	s24 =	sshrl.u32 s15, $0x3;
	s25 =	sshrl.u32 s16, $0x3;
	s26 =	sshrl.u32 s17, $0x3;
	v54 =	vld [tilespmem:$0xF0];
	v53 =	vshll.u32 v40, $0x7;
	v52 =	vadd.s32 v39, v50;
	[tilespmem:$0x690] =	vst v49  }
0x8a: {  	s14 =	sshrl.u32 s22, $0x3;
	s8 =	sadd.s32 s21, s24;
	s24 =	sor.u32 $0x380, s9;
	v56 =	vshll.u32 v42, $0x7;
	v55 =	vadd.s32 v41, v53;
	[tilespmem:$0x6A0] =	vst v52  }
0x8b: {  	s6 =	sadd.s32 s21, s23;
	s23 =	sor.u32 $0x300, s9;
	s31 =	sshrl.u32 s24, $0x3;
	v58 =	vshll.u32 v44, $0x7;
	v57 =	vadd.s32 v43, v56;
	[tilespmem:$0x6B0] =	vst v55  }
0x8c: {  	s30 =	sshrl.u32 s23, $0x3;
	s18 =	simm.s32 $0x480;
	s13 =	sadd.s32 s21, s31;
	v60 =	vshll.u32 v46, $0x7;
	v59 =	vadd.s32 v45, v58;
	[tilespmem:$0x6C0] =	vst v57  }
0x8d: {  	s10 =	sadd.s32 s21, s25;
	s11 =	sadd.s32 s21, s26;
	s19 =	sor.u32 $0x200, s9;
	v62 =	vshll.u32 v51, $0x7;
	v61 =	vadd.s32 v48, v60;
	[tilespmem:$0x6D0] =	vst v59  }
0x8e: {  	s9 =	sadd.s32 s21, s14;
	s14 =	sadd.s32 s21, s30;
	s20 =	sadd.s32 s16, s1;
	v63 =	vadd.s32 v54, v62;
	[tilespmem:$0x6E0] =	vst v61  }
.Ltmp0:
0x8f: {  	s16 =	sadd.s32 s22, s1;
	s28 =	sshrl.u32 s19, $0x3;
	[tilespmem:$0x6F0] =	vst v63;
	(pc) =	sbr.rel @p0 .LBB2_2-.Ltmp0, $4  }
0x90: {  	[spmem:s1] =	stream.indirect.scatter.add.f32 [tilespmem:s18], [sflag:$0x2], $0x1, s29, s7, $0xb8;
	[tilespmem:$0x1000] =	vst v63  }
0x91: {  	s19 =	sadd.s32 s19, s1;
	s12 =	sadd.s32 s21, s28;
	_ =	swait.ge [sflag:s5], $0x80  }
0x92: {  	s21 =	sadd.s32 s15, s1;
	s15 =	sadd.s32 s24, s1;
	[sflag:s5] =	ssyncset.done $0x0  }
0x93: {  	s18 =	sadd.s32 s17, s1;
	s17 =	sadd.s32 s23, s1;
	[sflag:s5] =	ssyncadd.s32 $0xFFFFFF80  }
0x94: {  	_ =	swait.ge [sflag:s3], $0x100  }
0x95: {  	[sflag:s3] =	ssyncset.done $0x0  }
0x96: {  	[sflag:s3] =	ssyncadd.s32 $0xFFFFFF00  }
0x97: {  	_ =	swait.ge [sflag:s3], $0x100  }
0x98: {  	[sflag:s3] =	ssyncset.done $0x0  }
0x99: {  	[sflag:s3] =	ssyncadd.s32 $0xFFFFFF00  }
0x9a: {  	_ =	swait.ge [sflag:s3], $0x100  }
0x9b: {  	[sflag:s3] =	ssyncset.done $0x0  }
0x9c: {  	[sflag:s3] =	ssyncadd.s32 $0xFFFFFF00  }
0x9d: {  	v0 =	vld [tilespmem:$0x300]  }
0x9e: {  	v1 =	vld [tilespmem:$0x100]  }
0x9f: {  	v2 =	vld [tilespmem:$0x310]  }
0xa0: {  	v3 =	vld [tilespmem:$0x110]  }
0xa1: {  	v4 =	vld [tilespmem:$0x320]  }
0xa2: {  	v5 =	vld [tilespmem:$0x120]  }
0xa3: {  	v6 =	vld [tilespmem:$0x330]  }
0xa4: {  	v7 =	vld [tilespmem:$0x130]  }
0xa5: {  	v8 =	vld [tilespmem:$0x340]  }
0xa6: {  	v9 =	vld [tilespmem:$0x140]  }
0xa7: {  	v10 =	vld [tilespmem:$0x350]  }
0xa8: {  	v11 =	vld [tilespmem:$0x150]  }
0xa9: {  	v12 =	vld [tilespmem:$0x360];
	v0 =	vshll.u32 v0, $0x7  }
0xaa: {  	v18 =	vld [tilespmem:$0x160];
	v17 =	vshll.u32 v2, $0x7;
	v0 =	vadd.s32 v1, v0  }
0xab: {  	v21 =	vld [tilespmem:$0x370];
	v20 =	vshll.u32 v4, $0x7;
	v19 =	vadd.s32 v3, v17;
	[tilespmem:$0x700] =	vst v0  }
0xac: {  	v24 =	vld [tilespmem:$0x170];
	v23 =	vshll.u32 v6, $0x7;
	v22 =	vadd.s32 v5, v20;
	[tilespmem:$0x710] =	vst v19  }
0xad: {  	v26 =	vshll.u32 v8, $0x7;
	v25 =	vadd.s32 v7, v23;
	[tilespmem:$0x720] =	vst v22  }
0xae: {  	v28 =	vshll.u32 v10, $0x7;
	v27 =	vadd.s32 v9, v26;
	[tilespmem:$0x730] =	vst v25  }
0xaf: {  	v30 =	vshll.u32 v12, $0x7;
	v29 =	vadd.s32 v11, v28;
	[tilespmem:$0x740] =	vst v27  }
0xb0: {  	v32 =	vshll.u32 v21, $0x7;
	v31 =	vadd.s32 v18, v30;
	[tilespmem:$0x750] =	vst v29  }
0xb1: {  	v33 =	vadd.s32 v24, v32;
	[tilespmem:$0x760] =	vst v31  }
0xb2: {  	s22 =	simm.s32 $0x700;
	s23 =	simm.s32 $0x500;
	[tilespmem:$0x770] =	vst v33  }
0xb3: {  	[spmem:s1] =	stream.indirect.scatter.add.f32 [tilespmem:s23], [sflag:$0x2], $0x1, s22, s7, $0xb8;
	[tilespmem:$0x1000] =	vst v63  }
0xb4: {  	_ =	swait.ge [sflag:s5], $0x80  }
0xb5: {  	[sflag:s5] =	ssyncset.done $0x0  }
0xb6: {  	[sflag:s5] =	ssyncadd.s32 $0xFFFFFF80  }
0xb7: {  	v34 =	vld [tilespmem:$0x380]  }
0xb8: {  	v35 =	vld [tilespmem:$0x180]  }
0xb9: {  	v36 =	vld [tilespmem:$0x390]  }
0xba: {  	v37 =	vld [tilespmem:$0x190]  }
0xbb: {  	v38 =	vld [tilespmem:$0x3A0]  }
0xbc: {  	v39 =	vld [tilespmem:$0x1A0]  }
0xbd: {  	v40 =	vld [tilespmem:$0x3B0]  }
0xbe: {  	v41 =	vld [tilespmem:$0x1B0]  }
0xbf: {  	v42 =	vld [tilespmem:$0x3C0]  }
0xc0: {  	v43 =	vld [tilespmem:$0x1C0]  }
0xc1: {  	v44 =	vld [tilespmem:$0x3D0]  }
0xc2: {  	v45 =	vld [tilespmem:$0x1D0]  }
0xc3: {  	v46 =	vld [tilespmem:$0x3E0];
	v0 =	vshll.u32 v34, $0x7  }
0xc4: {  	v48 =	vld [tilespmem:$0x1E0];
	v47 =	vshll.u32 v36, $0x7;
	v0 =	vadd.s32 v35, v0  }
0xc5: {  	v51 =	vld [tilespmem:$0x3F0];
	v50 =	vshll.u32 v38, $0x7;
	v49 =	vadd.s32 v37, v47;
	[tilespmem:$0x780] =	vst v0  }
0xc6: {  	v54 =	vld [tilespmem:$0x1F0];
	v53 =	vshll.u32 v40, $0x7;
	v52 =	vadd.s32 v39, v50;
	[tilespmem:$0x790] =	vst v49  }
0xc7: {  	v56 =	vshll.u32 v42, $0x7;
	v55 =	vadd.s32 v41, v53;
	[tilespmem:$0x7A0] =	vst v52  }
0xc8: {  	v58 =	vshll.u32 v44, $0x7;
	v57 =	vadd.s32 v43, v56;
	[tilespmem:$0x7B0] =	vst v55  }
0xc9: {  	v60 =	vshll.u32 v46, $0x7;
	v59 =	vadd.s32 v45, v58;
	[tilespmem:$0x7C0] =	vst v57  }
0xca: {  	v62 =	vshll.u32 v51, $0x7;
	v61 =	vadd.s32 v48, v60;
	[tilespmem:$0x7D0] =	vst v59  }
0xcb: {  	v63 =	vadd.s32 v54, v62;
	[tilespmem:$0x7E0] =	vst v61  }
0xcc: {  	s30 =	simm.s32 $0x780;
	s31 =	simm.s32 $0x580;
	[tilespmem:$0x7F0] =	vst v63  }
0xcd: {  	[spmem:s1] =	stream.indirect.scatter.add.f32 [tilespmem:s31], [sflag:$0x2], $0x1, s30, s7, $0xb8;
	[tilespmem:$0x1000] =	vst v63  }
0xce: {  	_ =	swait.ge [sflag:s5], $0x80  }
0xcf: {  	[sflag:s5] =	ssyncset.done $0x0  }
0xd0: {  	[sflag:s5] =	ssyncadd.s32 $0xFFFFFF80  }
.LBB2_2:
0xd1: {  	s1 =	sshll.u32 s2, $0x6;
	[bflag:$0x0] =	sbarrier.arrive $0xFFFF  }
0xd2: {  	s4 =	sshrl.u32 s4, $0x3;
	s24 =	sshrl.u32 s21, $0x3;
	s25 =	sshrl.u32 s20, $0x3  }
0xd3: {  	s26 =	sshrl.u32 s18, $0x3;
	s28 =	sshrl.u32 s19, $0x3;
	s29 =	sshrl.u32 s16, $0x3  }
0xd4: {  	s30 =	sshrl.u32 s17, $0x3;
	s31 =	sshrl.u32 s15, $0x3;
	s1 =	sor.u32 $0x1C01, s1  }
0xd5: {  	[hbm:s6], [sflag:s1] =	dma.local [spmem:s4], $0x10  }
0xd6: {  	[hbm:s8], [sflag:s1] =	dma.local [spmem:s24], $0x10  }
0xd7: {  	[hbm:s10], [sflag:s1] =	dma.local [spmem:s25], $0x10  }
0xd8: {  	[hbm:s11], [sflag:s1] =	dma.local [spmem:s26], $0x10  }
0xd9: {  	[hbm:s12], [sflag:s1] =	dma.local [spmem:s28], $0x10  }
0xda: {  	[hbm:s9], [sflag:s1] =	dma.local [spmem:s29], $0x10  }
0xdb: {  	[hbm:s14], [sflag:s1] =	dma.local [spmem:s30], $0x10  }
0xdc: {  	[hbm:s13], [sflag:s1] =	dma.local [spmem:s31], $0x10  }
0xdd: {  	_ =	swait.ge [sflag:s3], $0x10  }
0xde: {  	[sflag:s3] =	ssyncset.done $0x0  }
0xdf: {  	[sflag:s3] =	ssyncadd.s32 $0xFFFFFFF0  }
0xe0: {  	_ =	swait.ge [sflag:s3], $0x10  }
0xe1: {  	[sflag:s3] =	ssyncset.done $0x0  }
0xe2: {  	[sflag:s3] =	ssyncadd.s32 $0xFFFFFFF0  }
0xe3: {  	_ =	swait.ge [sflag:s3], $0x10  }
0xe4: {  	[sflag:s3] =	ssyncset.done $0x0  }
0xe5: {  	[sflag:s3] =	ssyncadd.s32 $0xFFFFFFF0  }
0xe6: {  	_ =	swait.ge [sflag:s3], $0x10  }
0xe7: {  	[sflag:s3] =	ssyncset.done $0x0  }
0xe8: {  	[sflag:s3] =	ssyncadd.s32 $0xFFFFFFF0  }
0xe9: {  	_ =	swait.ge [sflag:s3], $0x10  }
0xea: {  	[sflag:s3] =	ssyncset.done $0x0  }
0xeb: {  	[sflag:s3] =	ssyncadd.s32 $0xFFFFFFF0  }
0xec: {  	_ =	swait.ge [sflag:s3], $0x10  }
0xed: {  	[sflag:s3] =	ssyncset.done $0x0  }
0xee: {  	[sflag:s3] =	ssyncadd.s32 $0xFFFFFFF0  }
0xef: {  	_ =	swait.ge [sflag:s3], $0x10  }
0xf0: {  	[sflag:s3] =	ssyncset.done $0x0  }
0xf1: {  	[sflag:s3] =	ssyncadd.s32 $0xFFFFFFF0  }
0xf2: {  	_ =	swait.ge [sflag:s3], $0x10  }
0xf3: {  	[sflag:s3] =	ssyncset.done $0x0  }
0xf4: {  	[sflag:s3] =	ssyncadd.s32 $0xFFFFFFF0  }
0xf5: {  	_ =	sfence.sel $0x180000  }
0xf6: {  	[bflag:$0x0] =	sbarrier.arrive $0xFFFF  }
0xf7: {  	p0 =	sne.s32 s2, $0x0;
	_ =	strace $0x90000047  }
0xf8: {  	s0 =	sadd.s32 @!p0 $0x100000, s0;
	[bflag:$0x2] =	sbarrier.arrive $0xFFFF  }
0xf9: {  	[sflag:s0] =	ssyncadd.tile.s32 @!p0 $0x1;
	_ =	shalt  }
.Lfunc_end2:
_tile_overlayer_lowered:
.L_overlay_start_2:
0xfa: {  	(tag) =	ssettag $0x2  }
0xfb: {  	s0 =	rddreg [dreg:$0x0];
	s2 =	stileid.u32  }
0xfc: {  	s1 =	rddreg [dreg:$0x1];
	p0 =	sne.s32 s2, $0x0  }
0xfd: {  	s3 =	rddreg [dreg:$0x2];
	[bflag:$0x3] =	sbarrier.arrive $0xFFFF;
	s2 =	simm.s32 @!p0 $0x1C02  }
0xfe: {  	[timem:s3], [sflag:s2] =	dma.local @!p0 [hbm:s0], s1  }
0xff: {  	s0 =	simm.s32 @!p0 $0x2  }
0x100: {  	_ =	swait.ge @!p0 [sflag:s0], s1  }
0x101: {  	s1 =	ssub.s32 @!p0 $0x0, s1;
	[sflag:s0] =	ssyncset.done @!p0 $0x0  }
0x102: {  	[sflag:s0] =	ssyncadd.s32 @!p0 s1  }
0x103: {  	[bflag:$0x3] =	sbarrier.arrive $0xFFFF  }
0x104: {  	_ =	shalt  }

</sc_bundles>
